<compile_context>
chip_gen: v7x
topology: tpu7x:2x2x1
jax: 0.10.2.dev20260603
libtpu: 0.0.44.dev20260713+nightly
codegen_flags: <defaults>
</compile_context>

<pallas_src>
import functools

import jax
import jax.numpy as jnp
import numpy as np
from jax import lax
from jax.experimental import pallas as pl
from jax.experimental.pallas import tpu as pltpu
from jax.experimental.pallas import tpu_sc as plsc

_B = 64
_N_BINS = 8192
_T = 256
_W_PAIR = 1.0
_W_COUNT = 0.3
_MIN_LEN = 5
_HARD_WIN = 8

_NC = 2
_NS = 16
_NW = _NC * _NS
_ROWS_PER_TILE = _B // _NW

_LN2 = 0.6931471805599453
_SQRT2 = 1.4142135623730951
_EPS = 1e-6


def _build_jitter_const():
    rng = np.random.default_rng(0)
    rows = []
    for _ in range(_B):
        j = rng.integers(-_HARD_WIN, _HARD_WIN + 1, size=(_T,))
        rows.append(np.where(j == 0, 1, j))
    return np.stack(rows).astype(np.int32)


_JIT_CONST = _build_jitter_const()


def _log16(x):
    i = plsc.bitcast(x, jnp.int32)
    e = lax.shift_right_arithmetic(i, 23) - 127
    mi = lax.bitwise_or(lax.bitwise_and(i, 0x007FFFFF), 0x3F800000)
    m = plsc.bitcast(mi, jnp.float32)
    big = m > jnp.float32(_SQRT2)
    m = jnp.where(big, m * jnp.float32(0.5), m)
    e = e + big.astype(jnp.int32)
    s = (m - 1.0) / (m + 1.0)
    s2 = s * s
    p = 2.0 * s * (1.0 + s2 * (jnp.float32(1.0 / 3.0)
                               + s2 * (jnp.float32(0.2)
                                       + s2 * jnp.float32(1.0 / 7.0))))
    return e.astype(jnp.float32) * jnp.float32(_LN2) + p


def _splat(scalar):
    return jnp.full((16,), scalar, jnp.float32)


@functools.partial(
    pl.kernel,
    out_type=jax.ShapeDtypeStruct((_NW * 16,), jnp.float32),
    mesh=plsc.VectorSubcoreMesh(core_axis_name="c", subcore_axis_name="s",
                                num_cores=_NC, num_subcores=_NS),
    compiler_params=pltpu.CompilerParams(needs_layout_passes=False,
                                         use_tc_tiling_on_sc=True),
    scratch_types=[
        pltpu.VMEM((_ROWS_PER_TILE * _N_BINS,), jnp.float32),
        pltpu.VMEM((_ROWS_PER_TILE * _N_BINS,), jnp.float32),
        pltpu.VMEM((_ROWS_PER_TILE * 2 * _T,), jnp.int32),
        pltpu.VMEM((_ROWS_PER_TILE * _T,), jnp.int32),
        pltpu.VMEM((16,), jnp.float32),
        pltpu.SemaphoreType.DMA,
        pltpu.SemaphoreType.DMA,
    ],
)
def _sc_pair_loss(left_hbm, right_hbm, tad_hbm, jit_hbm,
                  out_hbm, lrows, rrows, tadvs, jitvs, stage, sem0, sem1):
    wid = lax.axis_index("s") * _NC + lax.axis_index("c")
    iota = lax.broadcasted_iota(jnp.int32, (16,), 0)

    sems = (sem0, sem1)
    copies = []
    for k in range(_ROWS_PER_TILE):
        b = wid * _ROWS_PER_TILE + k
        copies.append((
            pltpu.async_copy(left_hbm.at[b],
                             lrows.at[pl.ds(k * _N_BINS, _N_BINS)], sems[k]),
            pltpu.async_copy(right_hbm.at[b],
                             rrows.at[pl.ds(k * _N_BINS, _N_BINS)], sems[k]),
            pltpu.async_copy(tad_hbm.at[b],
                             tadvs.at[pl.ds(k * 2 * _T, 2 * _T)], sems[k]),
            pltpu.async_copy(jit_hbm.at[b],
                             jitvs.at[pl.ds(k * _T, _T)], sems[k]),
        ))

    total = jnp.zeros((16,), jnp.float32)
    valid = jnp.zeros((16,), jnp.float32)

    for k in range(_ROWS_PER_TILE):
        for cp in copies[k]:
            cp.wait()
        row_off = k * _N_BINS
        idx_off = k * _T
        tad_off = k * 2 * _T

        def _pair_body(i, carry):
            pos_a, neg1_a, neg2_a, n_a, n2_a = carry
            p2 = 2 * (iota + i) + tad_off
            li16 = plsc.load_gather(tadvs, [p2])
            ri16 = plsc.load_gather(tadvs, [p2 + 1])
            jt16 = jitvs[pl.ds(idx_off + i, 16)]
            m = ((li16 >= 0) & (li16 < _N_BINS)
                 & (ri16 < _N_BINS) & (li16 < ri16))
            lic = jnp.clip(li16, 0, _N_BINS - 1) + row_off
            ric = jnp.clip(ri16, 0, _N_BINS - 1) + row_off
            lb = plsc.load_gather(lrows, [lic])
            rb = plsc.load_gather(rrows, [ric])
            rridx = 2 * lax.rem(iota + (i + _T - 1), _T) + (tad_off + 1)
            rr16 = plsc.load_gather(tadvs, [rridx])
            rrc = jnp.clip(rr16, 0, _N_BINS - 1) + row_off
            rb1 = plsc.load_gather(rrows, [rrc])
            jr = jnp.clip(ri16 + jt16, 0, _N_BINS - 1)
            vj = jr > li16 + (_MIN_LEN - 1)
            rb2 = plsc.load_gather(rrows, [jr + row_off])

            mf = jnp.where(m, 1.0, 0.0).astype(jnp.float32)
            m2f = jnp.where(m & vj, 1.0, 0.0).astype(jnp.float32)
            pos = jnp.clip(lb * rb, _EPS, 1.0 - _EPS)
            neg1 = jnp.clip(lb * rb1, _EPS, 1.0 - _EPS)
            neg2 = jnp.clip(lb * rb2, _EPS, 1.0 - _EPS)
            pos_a = pos_a - mf * _log16(pos)
            neg1_a = neg1_a - mf * _log16(1.0 - neg1)
            neg2_a = neg2_a - m2f * _log16(1.0 - neg2)
            n_a = n_a + mf
            n2_a = n2_a + m2f
            return pos_a, neg1_a, neg2_a, n_a, n2_a

        zero = jnp.zeros((16,), jnp.float32)
        pos_a, neg1_a, neg2_a, n_a, n2_a = plsc.parallel_loop(
            0, _T, step=16, unroll=2,
            carry=(zero, zero, zero, zero, zero))(_pair_body)

        n = _splat(jnp.sum(n_a))
        n2 = _splat(jnp.sum(n2_a))
        pos_sum = _splat(jnp.sum(pos_a))
        neg1_sum = _splat(jnp.sum(neg1_a))
        neg2_sum = _splat(jnp.sum(neg2_a))

        has = n > 0.5
        gt1 = n > 1.5
        pos_loss = pos_sum / jnp.maximum(n, 1.0)
        neg_sum = jnp.where(gt1, neg1_sum, 0.0) + neg2_sum
        neg_cnt = jnp.where(gt1, n, 0.0) + n2
        neg_loss = jnp.where(neg_cnt > 0.5,
                             neg_sum / jnp.maximum(neg_cnt, 1.0), 0.0)
        total = total + jnp.where(has, pos_loss + 0.5 * neg_loss, 0.0)
        valid = valid + jnp.where(has, 1.0, 0.0)

    part = (jnp.where(iota == 0, total, 0.0)
            + jnp.where(iota == 1, valid, 0.0))
    stage[...] = part
    pltpu.sync_copy(stage, out_hbm.at[pl.ds(wid * 16, 16)])


def _tc_count_body(l_ref, r_ref, lgt_ref, rgt_ref, o_count):
    lsum = jnp.sum(l_ref[...], axis=1, keepdims=True)
    rsum = jnp.sum(r_ref[...], axis=1, keepdims=True)
    csum = (jnp.sum(jnp.abs(lsum - lgt_ref[...]))
            + jnp.sum(jnp.abs(rsum - rgt_ref[...])))
    o_count[0, 0] = csum * jnp.float32(1.0 / _B)


_tc_count = pl.pallas_call(
    _tc_count_body,
    out_shape=jax.ShapeDtypeStruct((1, 1), jnp.float32),
    out_specs=pl.BlockSpec(memory_space=pltpu.SMEM),
)


def _tc_combine_body(p_ref, c_ref, o_pair, o_count, o_loss):
    x = p_ref[...]
    col = lax.rem(lax.broadcasted_iota(jnp.int32, (4, 128), 1), 16)
    total = jnp.sum(jnp.where(col == 0, x, 0.0))
    valid = jnp.sum(jnp.where(col == 1, x, 0.0))
    pair_loss = total / jnp.maximum(valid, 1.0)
    count_loss = jnp.sum(c_ref[...])
    loss = (jnp.float32(_W_PAIR) * pair_loss
            + jnp.float32(_W_COUNT) * count_loss)
    o_pair[0, 0] = pair_loss
    o_count[0, 0] = count_loss
    o_loss[0, 0] = loss


_tc_combine = pl.pallas_call(
    _tc_combine_body,
    in_specs=(pl.BlockSpec(),
              pl.BlockSpec()),
    out_shape=(jax.ShapeDtypeStruct((1, 1), jnp.float32),
               jax.ShapeDtypeStruct((1, 1), jnp.float32),
               jax.ShapeDtypeStruct((1, 1), jnp.float32)),
    out_specs=(pl.BlockSpec(memory_space=pltpu.SMEM),
               pl.BlockSpec(memory_space=pltpu.SMEM),
               pl.BlockSpec(memory_space=pltpu.SMEM)),
)


def kernel(left_boundary, right_boundary, left_count_gt, right_count_gt, tads):
    tad2 = tads.reshape(_B, 2 * _T)
    jit_arr = jnp.asarray(_JIT_CONST)
    parts = _sc_pair_loss(left_boundary, right_boundary, tad2, jit_arr)
    count = _tc_count(left_boundary, right_boundary,
                      left_count_gt, right_count_gt)
    pair, count_out, loss = _tc_combine(parts.reshape(4, 128), count)
    return (pair.reshape(()), count_out.reshape(()), loss.reshape(()))

# --- scband reference (transcript-rebuilt; emitter-appended) ---
"""Pipeline reference for scband-tadstructure-loss-31860067401754 (READ-ONLY COPY).

The authoritative reference and input builder live on the scoring server;
editing this copy changes nothing except your own understanding.
"""

import jax, jax.numpy as jnp
import numpy as np

B = 64
N_BINS = 8192
T = 256
W_PAIR = 1.0
W_COUNT = 0.3
MIN_LEN = 5
MAX_LEN = 200
HARD_WIN = 8


def setup_inputs(seed: int = 0) -> dict:
    key = jax.random.key(seed)
    k1, k2, k3, k4, k5, k6 = jax.random.split(key, 6)
    left_boundary = jax.random.uniform(k1, (B, N_BINS), dtype=jnp.float32)
    right_boundary = jax.random.uniform(k2, (B, N_BINS), dtype=jnp.float32)
    li = jax.random.randint(k3, (B, T), 0, N_BINS - MAX_LEN - 1)
    span = jax.random.randint(k4, (B, T), MIN_LEN, MAX_LEN)
    tads = jnp.stack([li, li + span], axis=-1).astype(jnp.int32)
    left_count_gt = jax.random.randint(k5, (B, 1), 0, 300).astype(jnp.float32)
    right_count_gt = jax.random.randint(k6, (B, 1), 0, 300).astype(jnp.float32)
    return {
        'left_boundary': left_boundary,
        'right_boundary': right_boundary,
        'left_count_gt': left_count_gt,
        'right_count_gt': right_count_gt,
        'tads': tads,
    }


def _build_jitter():
    # Jitter randomness uses a fixed numpy RNG; per-batch draw sizes are the
    # static row count T, so the stream can be materialized up front.
    rng = np.random.default_rng(0)
    rows = []
    for _ in range(B):
        j = rng.integers(-HARD_WIN, HARD_WIN + 1, size=(T,))
        rows.append(np.where(j == 0, 1, j))
    return jnp.asarray(np.stack(rows), dtype=jnp.int32)


_JITTER = _build_jitter()


def reference(left_boundary, right_boundary, left_count_gt, right_count_gt, tads):
    li_all = tads[..., 0]
    ri_all = tads[..., 1]
    vp_all = (li_all >= 0) & (li_all < N_BINS) & (ri_all < N_BINS) & (li_all < ri_all)
    total = jnp.float32(0.0)
    valid = jnp.int32(0)
    for b in range(B):
        li = li_all[b]
        ri = ri_all[b]
        m = vp_all[b]
        n = jnp.sum(m.astype(jnp.int32))
        has_rows = n > 0
        lb_li = left_boundary[b, li]
        pos = jnp.clip(lb_li * right_boundary[b, ri], 1e-06, 1 - 1e-06)
        pos_loss = jnp.sum(jnp.where(m, -jnp.log(pos), 0.0)) / jnp.maximum(n, 1)
        rr = jnp.roll(ri, 1)
        neg1 = jnp.clip(lb_li * right_boundary[b, rr], 1e-06, 1 - 1e-06)
        m1 = m & (n > 1)
        jr = jnp.clip(ri + _JITTER[b], 0, N_BINS - 1)
        vj = jr > li + MIN_LEN - 1
        neg2 = jnp.clip(lb_li * right_boundary[b, jr], 1e-06, 1 - 1e-06)
        m2 = m & vj
        neg_sum = (
            jnp.sum(jnp.where(m1, -jnp.log(1.0 - neg1), 0.0))
            + jnp.sum(jnp.where(m2, -jnp.log(1.0 - neg2), 0.0))
        )
        neg_cnt = jnp.sum(m1.astype(jnp.int32)) + jnp.sum(m2.astype(jnp.int32))
        neg_loss = jnp.where(neg_cnt > 0, neg_sum / jnp.maximum(neg_cnt, 1), 0.0)
        total = total + jnp.where(has_rows, pos_loss + 0.5 * neg_loss, 0.0)
        valid = valid + has_rows.astype(jnp.int32)
    pair_loss = total / jnp.maximum(valid, 1)
    count_loss = (
        jnp.mean(jnp.abs(left_boundary.sum(axis=1) - left_count_gt.squeeze(-1)))
        + jnp.mean(jnp.abs(right_boundary.sum(axis=1) - right_count_gt.squeeze(-1)))
    )
    loss = W_PAIR * pair_loss + W_COUNT * count_loss
    return (pair_loss, count_loss, loss)

if __name__ == "__main__":
    import jax
    _d = setup_inputs()
    print(jax.jit(kernel)(*tuple(_d.values())))

</pallas_src>

<mosaic_0001>
#map = affine_map<(d0, d1) -> (0, 0)>
#map1 = affine_map<(d0, d1) -> (0)>
module attributes {stable_mosaic.version = 14 : i64} {
  func.func @_sc_pair_loss(%arg0: i32, %arg1: i32, %arg2: memref<64x8192xf32, #tpu.memory_space<hbm>>, %arg3: memref<64x8192xf32, #tpu.memory_space<hbm>>, %arg4: memref<64x512xi32, #tpu.memory_space<hbm>>, %arg5: memref<64x256xi32, #tpu.memory_space<hbm>>, %arg6: memref<512xf32, #tpu.memory_space<hbm>>, %arg7: memref<16384xf32, #tpu.memory_space<vmem>>, %arg8: memref<16384xf32, #tpu.memory_space<vmem>>, %arg9: memref<1024xi32, #tpu.memory_space<vmem>>, %arg10: memref<512xi32, #tpu.memory_space<vmem>>, %arg11: memref<16xf32, #tpu.memory_space<vmem>>, %arg12: memref<!tpu.dma_semaphore, #tpu.memory_space<semaphore_mem>>, %arg13: memref<!tpu.dma_semaphore, #tpu.memory_space<semaphore_mem>>) attributes {dimension_semantics = [#tpu.dimension_semantics<core_parallel>, #tpu.dimension_semantics<subcore_parallel>], iteration_bounds = array<i64: 2, 16>, scalar_prefetch = 0 : i64, scratch_operands = 7 : i64, tpu.core_type = #tpu.core_type<sc_vector_subcore>, window_params = [{transform_indices = #map}, {transform_indices = #map}, {transform_indices = #map}, {transform_indices = #map}, {transform_indices = #map1}]} {
    %mul3A = arith.constant 2 : i32
    %mul3A_0 = arith.muli %arg1, %mul3A : i32
    %add3A = arith.addi %mul3A_0, %arg0 : i32
    %iota3A = tpu.iota {dimensions = array<i32: 0>} : vector<16xi32>
    %mul3A_1 = arith.constant 2 : i32
    %mul3A_2 = arith.muli %add3A, %mul3A_1 : i32
    %add3A_3 = arith.constant 0 : i32
    %add3A_4 = arith.addi %mul3A_2, %add3A_3 : i32
    %dma_start3A = arith.constant 0 : i32
    %dma_start3A_5 = tpu.memref_slice %arg7[%dma_start3A] : memref<16384xf32, #tpu.memory_space<vmem>> -> memref<8192xf32, #tpu.memory_space<vmem>>
    %dma_start3A_6 = arith.constant 0 : i32
    %dma_start3A_7 = tpu.memref_slice %arg2[%add3A_4, %dma_start3A_6] : memref<64x8192xf32, #tpu.memory_space<hbm>> -> memref<1x8192xf32, #tpu.memory_space<hbm>>
    %dma_start3A_8 = tpu.memref_squeeze %dma_start3A_7 : memref<1x8192xf32, #tpu.memory_space<hbm>> -> memref<8192xf32, #tpu.memory_space<hbm>>
    %dma_start3A_9 = arith.constant 0 : i32
    %dma_start3A_10 = tpu.memref_slice %arg7[%dma_start3A_9] : memref<16384xf32, #tpu.memory_space<vmem>> -> memref<8192xf32, #tpu.memory_space<vmem>>
    %dma_start3A_11 = arith.constant 0 : i32
    %dma_start3A_12 = tpu.memref_slice %arg2[%add3A_4, %dma_start3A_11] : memref<64x8192xf32, #tpu.memory_space<hbm>> -> memref<1x8192xf32, #tpu.memory_space<hbm>>
    %dma_start3A_13 = tpu.memref_squeeze %dma_start3A_12 : memref<1x8192xf32, #tpu.memory_space<hbm>> -> memref<8192xf32, #tpu.memory_space<hbm>>
    tpu.enqueue_dma source(%dma_start3A_13 : memref<8192xf32, #tpu.memory_space<hbm>>) target(%dma_start3A_10 : memref<8192xf32, #tpu.memory_space<vmem>>) target_semaphore(%arg12 : memref<!tpu.dma_semaphore, #tpu.memory_space<semaphore_mem>>)
    %dma_start3A_14 = arith.constant 0 : i32
    %dma_start3A_15 = tpu.memref_slice %arg8[%dma_start3A_14] : memref<16384xf32, #tpu.memory_space<vmem>> -> memref<8192xf32, #tpu.memory_space<vmem>>
    %dma_start3A_16 = arith.constant 0 : i32
    %dma_start3A_17 = tpu.memref_slice %arg3[%add3A_4, %dma_start3A_16] : memref<64x8192xf32, #tpu.memory_space<hbm>> -> memref<1x8192xf32, #tpu.memory_space<hbm>>
    %dma_start3A_18 = tpu.memref_squeeze %dma_start3A_17 : memref<1x8192xf32, #tpu.memory_space<hbm>> -> memref<8192xf32, #tpu.memory_space<hbm>>
    %dma_start3A_19 = arith.constant 0 : i32
    %dma_start3A_20 = tpu.memref_slice %arg8[%dma_start3A_19] : memref<16384xf32, #tpu.memory_space<vmem>> -> memref<8192xf32, #tpu.memory_space<vmem>>
    %dma_start3A_21 = arith.constant 0 : i32
    %dma_start3A_22 = tpu.memref_slice %arg3[%add3A_4, %dma_start3A_21] : memref<64x8192xf32, #tpu.memory_space<hbm>> -> memref<1x8192xf32, #tpu.memory_space<hbm>>
    %dma_start3A_23 = tpu.memref_squeeze %dma_start3A_22 : memref<1x8192xf32, #tpu.memory_space<hbm>> -> memref<8192xf32, #tpu.memory_space<hbm>>
    tpu.enqueue_dma source(%dma_start3A_23 : memref<8192xf32, #tpu.memory_space<hbm>>) target(%dma_start3A_20 : memref<8192xf32, #tpu.memory_space<vmem>>) target_semaphore(%arg12 : memref<!tpu.dma_semaphore, #tpu.memory_space<semaphore_mem>>)
    %dma_start3A_24 = arith.constant 0 : i32
    %dma_start3A_25 = tpu.memref_slice %arg9[%dma_start3A_24] : memref<1024xi32, #tpu.memory_space<vmem>> -> memref<512xi32, #tpu.memory_space<vmem>>
    %dma_start3A_26 = arith.constant 0 : i32
    %dma_start3A_27 = tpu.memref_slice %arg4[%add3A_4, %dma_start3A_26] : memref<64x512xi32, #tpu.memory_space<hbm>> -> memref<1x512xi32, #tpu.memory_space<hbm>>
    %dma_start3A_28 = tpu.memref_squeeze %dma_start3A_27 : memref<1x512xi32, #tpu.memory_space<hbm>> -> memref<512xi32, #tpu.memory_space<hbm>>
    %dma_start3A_29 = arith.constant 0 : i32
    %dma_start3A_30 = tpu.memref_slice %arg9[%dma_start3A_29] : memref<1024xi32, #tpu.memory_space<vmem>> -> memref<512xi32, #tpu.memory_space<vmem>>
    %dma_start3A_31 = arith.constant 0 : i32
    %dma_start3A_32 = tpu.memref_slice %arg4[%add3A_4, %dma_start3A_31] : memref<64x512xi32, #tpu.memory_space<hbm>> -> memref<1x512xi32, #tpu.memory_space<hbm>>
    %dma_start3A_33 = tpu.memref_squeeze %dma_start3A_32 : memref<1x512xi32, #tpu.memory_space<hbm>> -> memref<512xi32, #tpu.memory_space<hbm>>
    tpu.enqueue_dma source(%dma_start3A_33 : memref<512xi32, #tpu.memory_space<hbm>>) target(%dma_start3A_30 : memref<512xi32, #tpu.memory_space<vmem>>) target_semaphore(%arg12 : memref<!tpu.dma_semaphore, #tpu.memory_space<semaphore_mem>>)
    %dma_start3A_34 = arith.constant 0 : i32
    %dma_start3A_35 = tpu.memref_slice %arg10[%dma_start3A_34] : memref<512xi32, #tpu.memory_space<vmem>> -> memref<256xi32, #tpu.memory_space<vmem>>
    %dma_start3A_36 = arith.constant 0 : i32
    %dma_start3A_37 = tpu.memref_slice %arg5[%add3A_4, %dma_start3A_36] : memref<64x256xi32, #tpu.memory_space<hbm>> -> memref<1x256xi32, #tpu.memory_space<hbm>>
    %dma_start3A_38 = tpu.memref_squeeze %dma_start3A_37 : memref<1x256xi32, #tpu.memory_space<hbm>> -> memref<256xi32, #tpu.memory_space<hbm>>
    %dma_start3A_39 = arith.constant 0 : i32
    %dma_start3A_40 = tpu.memref_slice %arg10[%dma_start3A_39] : memref<512xi32, #tpu.memory_space<vmem>> -> memref<256xi32, #tpu.memory_space<vmem>>
    %dma_start3A_41 = arith.constant 0 : i32
    %dma_start3A_42 = tpu.memref_slice %arg5[%add3A_4, %dma_start3A_41] : memref<64x256xi32, #tpu.memory_space<hbm>> -> memref<1x256xi32, #tpu.memory_space<hbm>>
    %dma_start3A_43 = tpu.memref_squeeze %dma_start3A_42 : memref<1x256xi32, #tpu.memory_space<hbm>> -> memref<256xi32, #tpu.memory_space<hbm>>
    tpu.enqueue_dma source(%dma_start3A_43 : memref<256xi32, #tpu.memory_space<hbm>>) target(%dma_start3A_40 : memref<256xi32, #tpu.memory_space<vmem>>) target_semaphore(%arg12 : memref<!tpu.dma_semaphore, #tpu.memory_space<semaphore_mem>>)
    %mul3A_44 = arith.constant 2 : i32
    %mul3A_45 = arith.muli %add3A, %mul3A_44 : i32
    %add3A_46 = arith.constant 1 : i32
    %add3A_47 = arith.addi %mul3A_45, %add3A_46 : i32
    %dma_start3A_48 = arith.constant 8192 : i32
    %dma_start3A_49 = tpu.memref_slice %arg7[%dma_start3A_48] : memref<16384xf32, #tpu.memory_space<vmem>> -> memref<8192xf32, #tpu.memory_space<vmem>>
    %dma_start3A_50 = arith.constant 0 : i32
    %dma_start3A_51 = tpu.memref_slice %arg2[%add3A_47, %dma_start3A_50] : memref<64x8192xf32, #tpu.memory_space<hbm>> -> memref<1x8192xf32, #tpu.memory_space<hbm>>
    %dma_start3A_52 = tpu.memref_squeeze %dma_start3A_51 : memref<1x8192xf32, #tpu.memory_space<hbm>> -> memref<8192xf32, #tpu.memory_space<hbm>>
    %dma_start3A_53 = arith.constant 8192 : i32
    %dma_start3A_54 = tpu.memref_slice %arg7[%dma_start3A_53] : memref<16384xf32, #tpu.memory_space<vmem>> -> memref<8192xf32, #tpu.memory_space<vmem>>
    %dma_start3A_55 = arith.constant 0 : i32
    %dma_start3A_56 = tpu.memref_slice %arg2[%add3A_47, %dma_start3A_55] : memref<64x8192xf32, #tpu.memory_space<hbm>> -> memref<1x8192xf32, #tpu.memory_space<hbm>>
    %dma_start3A_57 = tpu.memref_squeeze %dma_start3A_56 : memref<1x8192xf32, #tpu.memory_space<hbm>> -> memref<8192xf32, #tpu.memory_space<hbm>>
    tpu.enqueue_dma source(%dma_start3A_57 : memref<8192xf32, #tpu.memory_space<hbm>>) target(%dma_start3A_54 : memref<8192xf32, #tpu.memory_space<vmem>>) target_semaphore(%arg13 : memref<!tpu.dma_semaphore, #tpu.memory_space<semaphore_mem>>)
    %dma_start3A_58 = arith.constant 8192 : i32
    %dma_start3A_59 = tpu.memref_slice %arg8[%dma_start3A_58] : memref<16384xf32, #tpu.memory_space<vmem>> -> memref<8192xf32, #tpu.memory_space<vmem>>
    %dma_start3A_60 = arith.constant 0 : i32
    %dma_start3A_61 = tpu.memref_slice %arg3[%add3A_47, %dma_start3A_60] : memref<64x8192xf32, #tpu.memory_space<hbm>> -> memref<1x8192xf32, #tpu.memory_space<hbm>>
    %dma_start3A_62 = tpu.memref_squeeze %dma_start3A_61 : memref<1x8192xf32, #tpu.memory_space<hbm>> -> memref<8192xf32, #tpu.memory_space<hbm>>
    %dma_start3A_63 = arith.constant 8192 : i32
    %dma_start3A_64 = tpu.memref_slice %arg8[%dma_start3A_63] : memref<16384xf32, #tpu.memory_space<vmem>> -> memref<8192xf32, #tpu.memory_space<vmem>>
    %dma_start3A_65 = arith.constant 0 : i32
    %dma_start3A_66 = tpu.memref_slice %arg3[%add3A_47, %dma_start3A_65] : memref<64x8192xf32, #tpu.memory_space<hbm>> -> memref<1x8192xf32, #tpu.memory_space<hbm>>
    %dma_start3A_67 = tpu.memref_squeeze %dma_start3A_66 : memref<1x8192xf32, #tpu.memory_space<hbm>> -> memref<8192xf32, #tpu.memory_space<hbm>>
    tpu.enqueue_dma source(%dma_start3A_67 : memref<8192xf32, #tpu.memory_space<hbm>>) target(%dma_start3A_64 : memref<8192xf32, #tpu.memory_space<vmem>>) target_semaphore(%arg13 : memref<!tpu.dma_semaphore, #tpu.memory_space<semaphore_mem>>)
    %dma_start3A_68 = arith.constant 512 : i32
    %dma_start3A_69 = tpu.memref_slice %arg9[%dma_start3A_68] : memref<1024xi32, #tpu.memory_space<vmem>> -> memref<512xi32, #tpu.memory_space<vmem>>
    %dma_start3A_70 = arith.constant 0 : i32
    %dma_start3A_71 = tpu.memref_slice %arg4[%add3A_47, %dma_start3A_70] : memref<64x512xi32, #tpu.memory_space<hbm>> -> memref<1x512xi32, #tpu.memory_space<hbm>>
    %dma_start3A_72 = tpu.memref_squeeze %dma_start3A_71 : memref<1x512xi32, #tpu.memory_space<hbm>> -> memref<512xi32, #tpu.memory_space<hbm>>
    %dma_start3A_73 = arith.constant 512 : i32
    %dma_start3A_74 = tpu.memref_slice %arg9[%dma_start3A_73] : memref<1024xi32, #tpu.memory_space<vmem>> -> memref<512xi32, #tpu.memory_space<vmem>>
    %dma_start3A_75 = arith.constant 0 : i32
    %dma_start3A_76 = tpu.memref_slice %arg4[%add3A_47, %dma_start3A_75] : memref<64x512xi32, #tpu.memory_space<hbm>> -> memref<1x512xi32, #tpu.memory_space<hbm>>
    %dma_start3A_77 = tpu.memref_squeeze %dma_start3A_76 : memref<1x512xi32, #tpu.memory_space<hbm>> -> memref<512xi32, #tpu.memory_space<hbm>>
    tpu.enqueue_dma source(%dma_start3A_77 : memref<512xi32, #tpu.memory_space<hbm>>) target(%dma_start3A_74 : memref<512xi32, #tpu.memory_space<vmem>>) target_semaphore(%arg13 : memref<!tpu.dma_semaphore, #tpu.memory_space<semaphore_mem>>)
    %dma_start3A_78 = arith.constant 256 : i32
    %dma_start3A_79 = tpu.memref_slice %arg10[%dma_start3A_78] : memref<512xi32, #tpu.memory_space<vmem>> -> memref<256xi32, #tpu.memory_space<vmem>>
    %dma_start3A_80 = arith.constant 0 : i32
    %dma_start3A_81 = tpu.memref_slice %arg5[%add3A_47, %dma_start3A_80] : memref<64x256xi32, #tpu.memory_space<hbm>> -> memref<1x256xi32, #tpu.memory_space<hbm>>
    %dma_start3A_82 = tpu.memref_squeeze %dma_start3A_81 : memref<1x256xi32, #tpu.memory_space<hbm>> -> memref<256xi32, #tpu.memory_space<hbm>>
    %dma_start3A_83 = arith.constant 256 : i32
    %dma_start3A_84 = tpu.memref_slice %arg10[%dma_start3A_83] : memref<512xi32, #tpu.memory_space<vmem>> -> memref<256xi32, #tpu.memory_space<vmem>>
    %dma_start3A_85 = arith.constant 0 : i32
    %dma_start3A_86 = tpu.memref_slice %arg5[%add3A_47, %dma_start3A_85] : memref<64x256xi32, #tpu.memory_space<hbm>> -> memref<1x256xi32, #tpu.memory_space<hbm>>
    %dma_start3A_87 = tpu.memref_squeeze %dma_start3A_86 : memref<1x256xi32, #tpu.memory_space<hbm>> -> memref<256xi32, #tpu.memory_space<hbm>>
    tpu.enqueue_dma source(%dma_start3A_87 : memref<256xi32, #tpu.memory_space<hbm>>) target(%dma_start3A_84 : memref<256xi32, #tpu.memory_space<vmem>>) target_semaphore(%arg13 : memref<!tpu.dma_semaphore, #tpu.memory_space<semaphore_mem>>)
    %broadcast_in_dim3A = arith.constant 0.000000e+00 : f32
    %broadcast_in_dim3A_88 = vector.broadcast %broadcast_in_dim3A : f32 to vector<16xf32>
    %broadcast_in_dim3A_89 = arith.constant 0.000000e+00 : f32
    %broadcast_in_dim3A_90 = vector.broadcast %broadcast_in_dim3A_89 : f32 to vector<16xf32>
    %dma_wait3A = arith.constant 0 : i32
    %dma_wait3A_91 = tpu.memref_slice %arg7[%dma_wait3A] : memref<16384xf32, #tpu.memory_space<vmem>> -> memref<8192xf32, #tpu.memory_space<vmem>>
    %dma_wait3A_92 = arith.constant 0 : i32
    %dma_wait3A_93 = tpu.memref_slice %arg2[%add3A_4, %dma_wait3A_92] : memref<64x8192xf32, #tpu.memory_space<hbm>> -> memref<1x8192xf32, #tpu.memory_space<hbm>>
    %dma_wait3A_94 = tpu.memref_squeeze %dma_wait3A_93 : memref<1x8192xf32, #tpu.memory_space<hbm>> -> memref<8192xf32, #tpu.memory_space<hbm>>
    %dma_wait3A_95 = arith.constant 0 : i32
    %dma_wait3A_96 = tpu.memref_slice %arg7[%dma_wait3A_95] : memref<16384xf32, #tpu.memory_space<vmem>> -> memref<8192xf32, #tpu.memory_space<vmem>>
    %dma_wait3A_97 = arith.constant 0 : i32
    %dma_wait3A_98 = tpu.memref_slice %arg2[%add3A_4, %dma_wait3A_97] : memref<64x8192xf32, #tpu.memory_space<hbm>> -> memref<1x8192xf32, #tpu.memory_space<hbm>>
    %dma_wait3A_99 = tpu.memref_squeeze %dma_wait3A_98 : memref<1x8192xf32, #tpu.memory_space<hbm>> -> memref<8192xf32, #tpu.memory_space<hbm>>
    tpu.wait_dma2 semaphore(%arg12 : memref<!tpu.dma_semaphore, #tpu.memory_space<semaphore_mem>>) src(%dma_wait3A_99 : memref<8192xf32, #tpu.memory_space<hbm>>) dst(%dma_wait3A_96 : memref<8192xf32, #tpu.memory_space<vmem>>)
    %dma_wait3A_100 = arith.constant 0 : i32
    %dma_wait3A_101 = tpu.memref_slice %arg8[%dma_wait3A_100] : memref<16384xf32, #tpu.memory_space<vmem>> -> memref<8192xf32, #tpu.memory_space<vmem>>
    %dma_wait3A_102 = arith.constant 0 : i32
    %dma_wait3A_103 = tpu.memref_slice %arg3[%add3A_4, %dma_wait3A_102] : memref<64x8192xf32, #tpu.memory_space<hbm>> -> memref<1x8192xf32, #tpu.memory_space<hbm>>
    %dma_wait3A_104 = tpu.memref_squeeze %dma_wait3A_103 : memref<1x8192xf32, #tpu.memory_space<hbm>> -> memref<8192xf32, #tpu.memory_space<hbm>>
    %dma_wait3A_105 = arith.constant 0 : i32
    %dma_wait3A_106 = tpu.memref_slice %arg8[%dma_wait3A_105] : memref<16384xf32, #tpu.memory_space<vmem>> -> memref<8192xf32, #tpu.memory_space<vmem>>
    %dma_wait3A_107 = arith.constant 0 : i32
    %dma_wait3A_108 = tpu.memref_slice %arg3[%add3A_4, %dma_wait3A_107] : memref<64x8192xf32, #tpu.memory_space<hbm>> -> memref<1x8192xf32, #tpu.memory_space<hbm>>
    %dma_wait3A_109 = tpu.memref_squeeze %dma_wait3A_108 : memref<1x8192xf32, #tpu.memory_space<hbm>> -> memref<8192xf32, #tpu.memory_space<hbm>>
    tpu.wait_dma2 semaphore(%arg12 : memref<!tpu.dma_semaphore, #tpu.memory_space<semaphore_mem>>) src(%dma_wait3A_109 : memref<8192xf32, #tpu.memory_space<hbm>>) dst(%dma_wait3A_106 : memref<8192xf32, #tpu.memory_space<vmem>>)
    %dma_wait3A_110 = arith.constant 0 : i32
    %dma_wait3A_111 = tpu.memref_slice %arg9[%dma_wait3A_110] : memref<1024xi32, #tpu.memory_space<vmem>> -> memref<512xi32, #tpu.memory_space<vmem>>
    %dma_wait3A_112 = arith.constant 0 : i32
    %dma_wait3A_113 = tpu.memref_slice %arg4[%add3A_4, %dma_wait3A_112] : memref<64x512xi32, #tpu.memory_space<hbm>> -> memref<1x512xi32, #tpu.memory_space<hbm>>
    %dma_wait3A_114 = tpu.memref_squeeze %dma_wait3A_113 : memref<1x512xi32, #tpu.memory_space<hbm>> -> memref<512xi32, #tpu.memory_space<hbm>>
    %dma_wait3A_115 = arith.constant 0 : i32
    %dma_wait3A_116 = tpu.memref_slice %arg9[%dma_wait3A_115] : memref<1024xi32, #tpu.memory_space<vmem>> -> memref<512xi32, #tpu.memory_space<vmem>>
    %dma_wait3A_117 = arith.constant 0 : i32
    %dma_wait3A_118 = tpu.memref_slice %arg4[%add3A_4, %dma_wait3A_117] : memref<64x512xi32, #tpu.memory_space<hbm>> -> memref<1x512xi32, #tpu.memory_space<hbm>>
    %dma_wait3A_119 = tpu.memref_squeeze %dma_wait3A_118 : memref<1x512xi32, #tpu.memory_space<hbm>> -> memref<512xi32, #tpu.memory_space<hbm>>
    tpu.wait_dma2 semaphore(%arg12 : memref<!tpu.dma_semaphore, #tpu.memory_space<semaphore_mem>>) src(%dma_wait3A_119 : memref<512xi32, #tpu.memory_space<hbm>>) dst(%dma_wait3A_116 : memref<512xi32, #tpu.memory_space<vmem>>)
    %dma_wait3A_120 = arith.constant 0 : i32
    %dma_wait3A_121 = tpu.memref_slice %arg10[%dma_wait3A_120] : memref<512xi32, #tpu.memory_space<vmem>> -> memref<256xi32, #tpu.memory_space<vmem>>
    %dma_wait3A_122 = arith.constant 0 : i32
    %dma_wait3A_123 = tpu.memref_slice %arg5[%add3A_4, %dma_wait3A_122] : memref<64x256xi32, #tpu.memory_space<hbm>> -> memref<1x256xi32, #tpu.memory_space<hbm>>
    %dma_wait3A_124 = tpu.memref_squeeze %dma_wait3A_123 : memref<1x256xi32, #tpu.memory_space<hbm>> -> memref<256xi32, #tpu.memory_space<hbm>>
    %dma_wait3A_125 = arith.constant 0 : i32
    %dma_wait3A_126 = tpu.memref_slice %arg10[%dma_wait3A_125] : memref<512xi32, #tpu.memory_space<vmem>> -> memref<256xi32, #tpu.memory_space<vmem>>
    %dma_wait3A_127 = arith.constant 0 : i32
    %dma_wait3A_128 = tpu.memref_slice %arg5[%add3A_4, %dma_wait3A_127] : memref<64x256xi32, #tpu.memory_space<hbm>> -> memref<1x256xi32, #tpu.memory_space<hbm>>
    %dma_wait3A_129 = tpu.memref_squeeze %dma_wait3A_128 : memref<1x256xi32, #tpu.memory_space<hbm>> -> memref<256xi32, #tpu.memory_space<hbm>>
    tpu.wait_dma2 semaphore(%arg12 : memref<!tpu.dma_semaphore, #tpu.memory_space<semaphore_mem>>) src(%dma_wait3A_129 : memref<256xi32, #tpu.memory_space<hbm>>) dst(%dma_wait3A_126 : memref<256xi32, #tpu.memory_space<vmem>>)
    %broadcast_in_dim3A_130 = arith.constant 0.000000e+00 : f32
    %broadcast_in_dim3A_131 = vector.broadcast %broadcast_in_dim3A_130 : f32 to vector<16xf32>
    %parallel_loop3A = arith.constant 0 : i32
    %parallel_loop3A_132 = arith.constant 256 : i32
    %parallel_loop3A_133 = arith.constant 16 : i32
    %parallel_loop3A_134:5 = scf.for %parallel_loop3A_324 = %parallel_loop3A to %parallel_loop3A_132 step %parallel_loop3A_133 iter_args(%parallel_loop3A_325 = %broadcast_in_dim3A_131, %parallel_loop3A_326 = %broadcast_in_dim3A_131, %parallel_loop3A_327 = %broadcast_in_dim3A_131, %parallel_loop3A_328 = %broadcast_in_dim3A_131, %parallel_loop3A_329 = %broadcast_in_dim3A_131) -> (vector<16xf32>, vector<16xf32>, vector<16xf32>, vector<16xf32>, vector<16xf32>)  : i32 {
      %parallel_loop3A_330 = vector.broadcast %parallel_loop3A_324 : i32 to vector<16xi32>
      %parallel_loop3A_331 = arith.addi %iota3A, %parallel_loop3A_330 : vector<16xi32>
      %parallel_loop3A_332 = arith.constant 2 : i32
      %parallel_loop3A_333 = vector.broadcast %parallel_loop3A_332 : i32 to vector<16xi32>
      %parallel_loop3A_334 = arith.muli %parallel_loop3A_333, %parallel_loop3A_331 : vector<16xi32>
      %parallel_loop3A_335 = arith.constant 0 : i32
      %parallel_loop3A_336 = vector.broadcast %parallel_loop3A_335 : i32 to vector<16xi32>
      %parallel_loop3A_337 = arith.addi %parallel_loop3A_334, %parallel_loop3A_336 : vector<16xi32>
      %parallel_loop3A_338 = tpu.vector_load_idx %arg9[%parallel_loop3A_337] : memref<1024xi32, #tpu.memory_space<vmem>>[vector<16xi32>], vector<16xi32>,
      %parallel_loop3A_339 = arith.constant 1 : i32
      %parallel_loop3A_340 = vector.broadcast %parallel_loop3A_339 : i32 to vector<16xi32>
      %parallel_loop3A_341 = arith.addi %parallel_loop3A_337, %parallel_loop3A_340 : vector<16xi32>
      %parallel_loop3A_342 = tpu.vector_load_idx %arg9[%parallel_loop3A_341] : memref<1024xi32, #tpu.memory_space<vmem>>[vector<16xi32>], vector<16xi32>,
      %parallel_loop3A_343 = arith.constant 0 : i32
      %parallel_loop3A_344 = arith.addi %parallel_loop3A_343, %parallel_loop3A_324 : i32
      %parallel_loop3A_345 = arith.index_cast %parallel_loop3A_344 : i32 to index
      %parallel_loop3A_346 = tpu.vector_load %arg10[%parallel_loop3A_345] {strides = array<i32>} : memref<512xi32, #tpu.memory_space<vmem>>, vector<16xi32>,
      %parallel_loop3A_347 = arith.constant 0 : i32
      %parallel_loop3A_348 = vector.broadcast %parallel_loop3A_347 : i32 to vector<16xi32>
      %parallel_loop3A_349 = arith.cmpi sge, %parallel_loop3A_338, %parallel_loop3A_348 : vector<16xi32>
      %parallel_loop3A_350 = arith.constant 8192 : i32
      %parallel_loop3A_351 = vector.broadcast %parallel_loop3A_350 : i32 to vector<16xi32>
      %parallel_loop3A_352 = arith.cmpi slt, %parallel_loop3A_338, %parallel_loop3A_351 : vector<16xi32>
      %parallel_loop3A_353 = arith.andi %parallel_loop3A_349, %parallel_loop3A_352 : vector<16xi1>
      %parallel_loop3A_354 = arith.constant 8192 : i32
      %parallel_loop3A_355 = vector.broadcast %parallel_loop3A_354 : i32 to vector<16xi32>
      %parallel_loop3A_356 = arith.cmpi slt, %parallel_loop3A_342, %parallel_loop3A_355 : vector<16xi32>
      %parallel_loop3A_357 = arith.andi %parallel_loop3A_353, %parallel_loop3A_356 : vector<16xi1>
      %parallel_loop3A_358 = arith.cmpi slt, %parallel_loop3A_338, %parallel_loop3A_342 : vector<16xi32>
      %parallel_loop3A_359 = arith.andi %parallel_loop3A_357, %parallel_loop3A_358 : vector<16xi1>
      %parallel_loop3A_360 = arith.constant 0 : i32
      %parallel_loop3A_361 = arith.constant 8191 : i32
      %parallel_loop3A_362 = vector.broadcast %parallel_loop3A_360 : i32 to vector<16xi32>
      %parallel_loop3A_363 = arith.maxsi %parallel_loop3A_362, %parallel_loop3A_338 : vector<16xi32>
      %parallel_loop3A_364 = vector.broadcast %parallel_loop3A_361 : i32 to vector<16xi32>
      %parallel_loop3A_365 = arith.minsi %parallel_loop3A_364, %parallel_loop3A_363 : vector<16xi32>
      %parallel_loop3A_366 = arith.constant 0 : i32
      %parallel_loop3A_367 = vector.broadcast %parallel_loop3A_366 : i32 to vector<16xi32>
      %parallel_loop3A_368 = arith.addi %parallel_loop3A_365, %parallel_loop3A_367 : vector<16xi32>
      %parallel_loop3A_369 = arith.constant 0 : i32
      %parallel_loop3A_370 = arith.constant 8191 : i32
      %parallel_loop3A_371 = vector.broadcast %parallel_loop3A_369 : i32 to vector<16xi32>
      %parallel_loop3A_372 = arith.maxsi %parallel_loop3A_371, %parallel_loop3A_342 : vector<16xi32>
      %parallel_loop3A_373 = vector.broadcast %parallel_loop3A_370 : i32 to vector<16xi32>
      %parallel_loop3A_374 = arith.minsi %parallel_loop3A_373, %parallel_loop3A_372 : vector<16xi32>
      %parallel_loop3A_375 = arith.constant 0 : i32
      %parallel_loop3A_376 = vector.broadcast %parallel_loop3A_375 : i32 to vector<16xi32>
      %parallel_loop3A_377 = arith.addi %parallel_loop3A_374, %parallel_loop3A_376 : vector<16xi32>
      %parallel_loop3A_378 = tpu.vector_load_idx %arg7[%parallel_loop3A_368] : memref<16384xf32, #tpu.memory_space<vmem>>[vector<16xi32>], vector<16xf32>,
      %parallel_loop3A_379 = tpu.vector_load_idx %arg8[%parallel_loop3A_377] : memref<16384xf32, #tpu.memory_space<vmem>>[vector<16xi32>], vector<16xf32>,
      %parallel_loop3A_380 = arith.constant 256 : i32
      %parallel_loop3A_381 = arith.addi %parallel_loop3A_324, %parallel_loop3A_380 : i32
      %parallel_loop3A_382 = arith.constant 1 : i32
      %parallel_loop3A_383 = arith.subi %parallel_loop3A_381, %parallel_loop3A_382 : i32
      %parallel_loop3A_384 = vector.broadcast %parallel_loop3A_383 : i32 to vector<16xi32>
      %parallel_loop3A_385 = arith.addi %iota3A, %parallel_loop3A_384 : vector<16xi32>
      %parallel_loop3A_386 = arith.constant 256 : i32
      %parallel_loop3A_387 = vector.broadcast %parallel_loop3A_386 : i32 to vector<16xi32>
      %parallel_loop3A_388 = arith.remsi %parallel_loop3A_385, %parallel_loop3A_387 : vector<16xi32>
      %parallel_loop3A_389 = arith.constant 2 : i32
      %parallel_loop3A_390 = vector.broadcast %parallel_loop3A_389 : i32 to vector<16xi32>
      %parallel_loop3A_391 = arith.muli %parallel_loop3A_390, %parallel_loop3A_388 : vector<16xi32>
      %parallel_loop3A_392 = arith.constant 1 : i32
      %parallel_loop3A_393 = vector.broadcast %parallel_loop3A_392 : i32 to vector<16xi32>
      %parallel_loop3A_394 = arith.addi %parallel_loop3A_391, %parallel_loop3A_393 : vector<16xi32>
      %parallel_loop3A_395 = tpu.vector_load_idx %arg9[%parallel_loop3A_394] : memref<1024xi32, #tpu.memory_space<vmem>>[vector<16xi32>], vector<16xi32>,
      %parallel_loop3A_396 = arith.constant 0 : i32
      %parallel_loop3A_397 = arith.constant 8191 : i32
      %parallel_loop3A_398 = vector.broadcast %parallel_loop3A_396 : i32 to vector<16xi32>
      %parallel_loop3A_399 = arith.maxsi %parallel_loop3A_398, %parallel_loop3A_395 : vector<16xi32>
      %parallel_loop3A_400 = vector.broadcast %parallel_loop3A_397 : i32 to vector<16xi32>
      %parallel_loop3A_401 = arith.minsi %parallel_loop3A_400, %parallel_loop3A_399 : vector<16xi32>
      %parallel_loop3A_402 = arith.constant 0 : i32
      %parallel_loop3A_403 = vector.broadcast %parallel_loop3A_402 : i32 to vector<16xi32>
      %parallel_loop3A_404 = arith.addi %parallel_loop3A_401, %parallel_loop3A_403 : vector<16xi32>
      %parallel_loop3A_405 = tpu.vector_load_idx %arg8[%parallel_loop3A_404] : memref<16384xf32, #tpu.memory_space<vmem>>[vector<16xi32>], vector<16xf32>,
      %parallel_loop3A_406 = arith.addi %parallel_loop3A_342, %parallel_loop3A_346 : vector<16xi32>
      %parallel_loop3A_407 = arith.constant 0 : i32
      %parallel_loop3A_408 = arith.constant 8191 : i32
      %parallel_loop3A_409 = vector.broadcast %parallel_loop3A_407 : i32 to vector<16xi32>
      %parallel_loop3A_410 = arith.maxsi %parallel_loop3A_409, %parallel_loop3A_406 : vector<16xi32>
      %parallel_loop3A_411 = vector.broadcast %parallel_loop3A_408 : i32 to vector<16xi32>
      %parallel_loop3A_412 = arith.minsi %parallel_loop3A_411, %parallel_loop3A_410 : vector<16xi32>
      %parallel_loop3A_413 = arith.constant 4 : i32
      %parallel_loop3A_414 = vector.broadcast %parallel_loop3A_413 : i32 to vector<16xi32>
      %parallel_loop3A_415 = arith.addi %parallel_loop3A_338, %parallel_loop3A_414 : vector<16xi32>
      %parallel_loop3A_416 = arith.cmpi sgt, %parallel_loop3A_412, %parallel_loop3A_415 : vector<16xi32>
      %parallel_loop3A_417 = arith.constant 0 : i32
      %parallel_loop3A_418 = vector.broadcast %parallel_loop3A_417 : i32 to vector<16xi32>
      %parallel_loop3A_419 = arith.addi %parallel_loop3A_412, %parallel_loop3A_418 : vector<16xi32>
      %parallel_loop3A_420 = tpu.vector_load_idx %arg8[%parallel_loop3A_419] : memref<16384xf32, #tpu.memory_space<vmem>>[vector<16xi32>], vector<16xf32>,
      %parallel_loop3A_421 = arith.constant 1.000000e+00 : f32
      %parallel_loop3A_422 = arith.constant 0.000000e+00 : f32
      %parallel_loop3A_423 = vector.broadcast %parallel_loop3A_421 : f32 to vector<16xf32>
      %parallel_loop3A_424 = vector.broadcast %parallel_loop3A_422 : f32 to vector<16xf32>
      %parallel_loop3A_425 = arith.select %parallel_loop3A_359, %parallel_loop3A_423, %parallel_loop3A_424 : vector<16xi1>, vector<16xf32>
      %parallel_loop3A_426 = arith.andi %parallel_loop3A_359, %parallel_loop3A_416 : vector<16xi1>
      %parallel_loop3A_427 = arith.constant 1.000000e+00 : f32
      %parallel_loop3A_428 = arith.constant 0.000000e+00 : f32
      %parallel_loop3A_429 = vector.broadcast %parallel_loop3A_427 : f32 to vector<16xf32>
      %parallel_loop3A_430 = vector.broadcast %parallel_loop3A_428 : f32 to vector<16xf32>
      %parallel_loop3A_431 = arith.select %parallel_loop3A_426, %parallel_loop3A_429, %parallel_loop3A_430 : vector<16xi1>, vector<16xf32>
      %parallel_loop3A_432 = arith.mulf %parallel_loop3A_378, %parallel_loop3A_379 : vector<16xf32>
      %parallel_loop3A_433 = arith.constant 9.99999997E-7 : f32
      %parallel_loop3A_434 = arith.constant 0.999998986 : f32
      %parallel_loop3A_435 = vector.broadcast %parallel_loop3A_433 : f32 to vector<16xf32>
      %parallel_loop3A_436 = arith.maximumf %parallel_loop3A_435, %parallel_loop3A_432 : vector<16xf32>
      %parallel_loop3A_437 = vector.broadcast %parallel_loop3A_434 : f32 to vector<16xf32>
      %parallel_loop3A_438 = arith.minimumf %parallel_loop3A_437, %parallel_loop3A_436 : vector<16xf32>
      %parallel_loop3A_439 = arith.mulf %parallel_loop3A_378, %parallel_loop3A_405 : vector<16xf32>
      %parallel_loop3A_440 = arith.constant 9.99999997E-7 : f32
      %parallel_loop3A_441 = arith.constant 0.999998986 : f32
      %parallel_loop3A_442 = vector.broadcast %parallel_loop3A_440 : f32 to vector<16xf32>
      %parallel_loop3A_443 = arith.maximumf %parallel_loop3A_442, %parallel_loop3A_439 : vector<16xf32>
      %parallel_loop3A_444 = vector.broadcast %parallel_loop3A_441 : f32 to vector<16xf32>
      %parallel_loop3A_445 = arith.minimumf %parallel_loop3A_444, %parallel_loop3A_443 : vector<16xf32>
      %parallel_loop3A_446 = arith.mulf %parallel_loop3A_378, %parallel_loop3A_420 : vector<16xf32>
      %parallel_loop3A_447 = arith.constant 9.99999997E-7 : f32
      %parallel_loop3A_448 = arith.constant 0.999998986 : f32
      %parallel_loop3A_449 = vector.broadcast %parallel_loop3A_447 : f32 to vector<16xf32>
      %parallel_loop3A_450 = arith.maximumf %parallel_loop3A_449, %parallel_loop3A_446 : vector<16xf32>
      %parallel_loop3A_451 = vector.broadcast %parallel_loop3A_448 : f32 to vector<16xf32>
      %parallel_loop3A_452 = arith.minimumf %parallel_loop3A_451, %parallel_loop3A_450 : vector<16xf32>
      %parallel_loop3A_453 = vector.bitcast %parallel_loop3A_438 : vector<16xf32> to vector<16xi32>
      %parallel_loop3A_454 = arith.constant 23 : i32
      %parallel_loop3A_455 = vector.broadcast %parallel_loop3A_454 : i32 to vector<16xi32>
      %parallel_loop3A_456 = arith.shrsi %parallel_loop3A_453, %parallel_loop3A_455 : vector<16xi32>
      %parallel_loop3A_457 = arith.constant 127 : i32
      %parallel_loop3A_458 = vector.broadcast %parallel_loop3A_457 : i32 to vector<16xi32>
      %parallel_loop3A_459 = arith.subi %parallel_loop3A_456, %parallel_loop3A_458 : vector<16xi32>
      %parallel_loop3A_460 = arith.constant 8388607 : i32
      %parallel_loop3A_461 = vector.broadcast %parallel_loop3A_460 : i32 to vector<16xi32>
      %parallel_loop3A_462 = arith.andi %parallel_loop3A_453, %parallel_loop3A_461 : vector<16xi32>
      %parallel_loop3A_463 = arith.constant 1065353216 : i32
      %parallel_loop3A_464 = vector.broadcast %parallel_loop3A_463 : i32 to vector<16xi32>
      %parallel_loop3A_465 = arith.ori %parallel_loop3A_462, %parallel_loop3A_464 : vector<16xi32>
      %parallel_loop3A_466 = vector.bitcast %parallel_loop3A_465 : vector<16xi32> to vector<16xf32>
      %parallel_loop3A_467 = arith.constant 1.41421354 : f32
      %parallel_loop3A_468 = vector.broadcast %parallel_loop3A_467 : f32 to vector<16xf32>
      %parallel_loop3A_469 = arith.cmpf ogt, %parallel_loop3A_466, %parallel_loop3A_468 : vector<16xf32>
      %parallel_loop3A_470 = arith.constant 5.000000e-01 : f32
      %parallel_loop3A_471 = vector.broadcast %parallel_loop3A_470 : f32 to vector<16xf32>
      %parallel_loop3A_472 = arith.mulf %parallel_loop3A_466, %parallel_loop3A_471 : vector<16xf32>
      %parallel_loop3A_473 = arith.select %parallel_loop3A_469, %parallel_loop3A_472, %parallel_loop3A_466 : vector<16xi1>, vector<16xf32>
      %parallel_loop3A_474 = arith.extui %parallel_loop3A_469 : vector<16xi1> to vector<16xi32>
      %parallel_loop3A_475 = arith.addi %parallel_loop3A_459, %parallel_loop3A_474 : vector<16xi32>
      %parallel_loop3A_476 = arith.constant 1.000000e+00 : f32
      %parallel_loop3A_477 = vector.broadcast %parallel_loop3A_476 : f32 to vector<16xf32>
      %parallel_loop3A_478 = arith.subf %parallel_loop3A_473, %parallel_loop3A_477 : vector<16xf32>
      %parallel_loop3A_479 = arith.constant 1.000000e+00 : f32
      %parallel_loop3A_480 = vector.broadcast %parallel_loop3A_479 : f32 to vector<16xf32>
      %parallel_loop3A_481 = arith.addf %parallel_loop3A_473, %parallel_loop3A_480 : vector<16xf32>
      %parallel_loop3A_482 = arith.divf %parallel_loop3A_478, %parallel_loop3A_481 : vector<16xf32>
      %parallel_loop3A_483 = arith.mulf %parallel_loop3A_482, %parallel_loop3A_482 : vector<16xf32>
      %parallel_loop3A_484 = arith.constant 2.000000e+00 : f32
      %parallel_loop3A_485 = vector.broadcast %parallel_loop3A_484 : f32 to vector<16xf32>
      %parallel_loop3A_486 = arith.mulf %parallel_loop3A_485, %parallel_loop3A_482 : vector<16xf32>
      %parallel_loop3A_487 = arith.constant 0.142857149 : f32
      %parallel_loop3A_488 = vector.broadcast %parallel_loop3A_487 : f32 to vector<16xf32>
      %parallel_loop3A_489 = arith.mulf %parallel_loop3A_483, %parallel_loop3A_488 : vector<16xf32>
      %parallel_loop3A_490 = arith.constant 2.000000e-01 : f32
      %parallel_loop3A_491 = vector.broadcast %parallel_loop3A_490 : f32 to vector<16xf32>
      %parallel_loop3A_492 = arith.addf %parallel_loop3A_491, %parallel_loop3A_489 : vector<16xf32>
      %parallel_loop3A_493 = arith.mulf %parallel_loop3A_483, %parallel_loop3A_492 : vector<16xf32>
      %parallel_loop3A_494 = arith.constant 0.333333343 : f32
      %parallel_loop3A_495 = vector.broadcast %parallel_loop3A_494 : f32 to vector<16xf32>
      %parallel_loop3A_496 = arith.addf %parallel_loop3A_495, %parallel_loop3A_493 : vector<16xf32>
      %parallel_loop3A_497 = arith.mulf %parallel_loop3A_483, %parallel_loop3A_496 : vector<16xf32>
      %parallel_loop3A_498 = arith.constant 1.000000e+00 : f32
      %parallel_loop3A_499 = vector.broadcast %parallel_loop3A_498 : f32 to vector<16xf32>
      %parallel_loop3A_500 = arith.addf %parallel_loop3A_499, %parallel_loop3A_497 : vector<16xf32>
      %parallel_loop3A_501 = arith.mulf %parallel_loop3A_486, %parallel_loop3A_500 : vector<16xf32>
      %parallel_loop3A_502 = arith.sitofp %parallel_loop3A_475 : vector<16xi32> to vector<16xf32>
      %parallel_loop3A_503 = arith.constant 0.693147182 : f32
      %parallel_loop3A_504 = vector.broadcast %parallel_loop3A_503 : f32 to vector<16xf32>
      %parallel_loop3A_505 = arith.mulf %parallel_loop3A_502, %parallel_loop3A_504 : vector<16xf32>
      %parallel_loop3A_506 = arith.addf %parallel_loop3A_505, %parallel_loop3A_501 : vector<16xf32>
      %parallel_loop3A_507 = arith.mulf %parallel_loop3A_425, %parallel_loop3A_506 : vector<16xf32>
      %parallel_loop3A_508 = arith.subf %parallel_loop3A_325, %parallel_loop3A_507 : vector<16xf32>
      %parallel_loop3A_509 = arith.constant 1.000000e+00 : f32
      %parallel_loop3A_510 = vector.broadcast %parallel_loop3A_509 : f32 to vector<16xf32>
      %parallel_loop3A_511 = arith.subf %parallel_loop3A_510, %parallel_loop3A_445 : vector<16xf32>
      %parallel_loop3A_512 = vector.bitcast %parallel_loop3A_511 : vector<16xf32> to vector<16xi32>
      %parallel_loop3A_513 = arith.constant 23 : i32
      %parallel_loop3A_514 = vector.broadcast %parallel_loop3A_513 : i32 to vector<16xi32>
      %parallel_loop3A_515 = arith.shrsi %parallel_loop3A_512, %parallel_loop3A_514 : vector<16xi32>
      %parallel_loop3A_516 = arith.constant 127 : i32
      %parallel_loop3A_517 = vector.broadcast %parallel_loop3A_516 : i32 to vector<16xi32>
      %parallel_loop3A_518 = arith.subi %parallel_loop3A_515, %parallel_loop3A_517 : vector<16xi32>
      %parallel_loop3A_519 = arith.constant 8388607 : i32
      %parallel_loop3A_520 = vector.broadcast %parallel_loop3A_519 : i32 to vector<16xi32>
      %parallel_loop3A_521 = arith.andi %parallel_loop3A_512, %parallel_loop3A_520 : vector<16xi32>
      %parallel_loop3A_522 = arith.constant 1065353216 : i32
      %parallel_loop3A_523 = vector.broadcast %parallel_loop3A_522 : i32 to vector<16xi32>
      %parallel_loop3A_524 = arith.ori %parallel_loop3A_521, %parallel_loop3A_523 : vector<16xi32>
      %parallel_loop3A_525 = vector.bitcast %parallel_loop3A_524 : vector<16xi32> to vector<16xf32>
      %parallel_loop3A_526 = arith.constant 1.41421354 : f32
      %parallel_loop3A_527 = vector.broadcast %parallel_loop3A_526 : f32 to vector<16xf32>
      %parallel_loop3A_528 = arith.cmpf ogt, %parallel_loop3A_525, %parallel_loop3A_527 : vector<16xf32>
      %parallel_loop3A_529 = arith.constant 5.000000e-01 : f32
      %parallel_loop3A_530 = vector.broadcast %parallel_loop3A_529 : f32 to vector<16xf32>
      %parallel_loop3A_531 = arith.mulf %parallel_loop3A_525, %parallel_loop3A_530 : vector<16xf32>
      %parallel_loop3A_532 = arith.select %parallel_loop3A_528, %parallel_loop3A_531, %parallel_loop3A_525 : vector<16xi1>, vector<16xf32>
      %parallel_loop3A_533 = arith.extui %parallel_loop3A_528 : vector<16xi1> to vector<16xi32>
      %parallel_loop3A_534 = arith.addi %parallel_loop3A_518, %parallel_loop3A_533 : vector<16xi32>
      %parallel_loop3A_535 = arith.constant 1.000000e+00 : f32
      %parallel_loop3A_536 = vector.broadcast %parallel_loop3A_535 : f32 to vector<16xf32>
      %parallel_loop3A_537 = arith.subf %parallel_loop3A_532, %parallel_loop3A_536 : vector<16xf32>
      %parallel_loop3A_538 = arith.constant 1.000000e+00 : f32
      %parallel_loop3A_539 = vector.broadcast %parallel_loop3A_538 : f32 to vector<16xf32>
      %parallel_loop3A_540 = arith.addf %parallel_loop3A_532, %parallel_loop3A_539 : vector<16xf32>
      %parallel_loop3A_541 = arith.divf %parallel_loop3A_537, %parallel_loop3A_540 : vector<16xf32>
      %parallel_loop3A_542 = arith.mulf %parallel_loop3A_541, %parallel_loop3A_541 : vector<16xf32>
      %parallel_loop3A_543 = arith.constant 2.000000e+00 : f32
      %parallel_loop3A_544 = vector.broadcast %parallel_loop3A_543 : f32 to vector<16xf32>
      %parallel_loop3A_545 = arith.mulf %parallel_loop3A_544, %parallel_loop3A_541 : vector<16xf32>
      %parallel_loop3A_546 = arith.constant 0.142857149 : f32
      %parallel_loop3A_547 = vector.broadcast %parallel_loop3A_546 : f32 to vector<16xf32>
      %parallel_loop3A_548 = arith.mulf %parallel_loop3A_542, %parallel_loop3A_547 : vector<16xf32>
      %parallel_loop3A_549 = arith.constant 2.000000e-01 : f32
      %parallel_loop3A_550 = vector.broadcast %parallel_loop3A_549 : f32 to vector<16xf32>
      %parallel_loop3A_551 = arith.addf %parallel_loop3A_550, %parallel_loop3A_548 : vector<16xf32>
      %parallel_loop3A_552 = arith.mulf %parallel_loop3A_542, %parallel_loop3A_551 : vector<16xf32>
      %parallel_loop3A_553 = arith.constant 0.333333343 : f32
      %parallel_loop3A_554 = vector.broadcast %parallel_loop3A_553 : f32 to vector<16xf32>
      %parallel_loop3A_555 = arith.addf %parallel_loop3A_554, %parallel_loop3A_552 : vector<16xf32>
      %parallel_loop3A_556 = arith.mulf %parallel_loop3A_542, %parallel_loop3A_555 : vector<16xf32>
      %parallel_loop3A_557 = arith.constant 1.000000e+00 : f32
      %parallel_loop3A_558 = vector.broadcast %parallel_loop3A_557 : f32 to vector<16xf32>
      %parallel_loop3A_559 = arith.addf %parallel_loop3A_558, %parallel_loop3A_556 : vector<16xf32>
      %parallel_loop3A_560 = arith.mulf %parallel_loop3A_545, %parallel_loop3A_559 : vector<16xf32>
      %parallel_loop3A_561 = arith.sitofp %parallel_loop3A_534 : vector<16xi32> to vector<16xf32>
      %parallel_loop3A_562 = arith.constant 0.693147182 : f32
      %parallel_loop3A_563 = vector.broadcast %parallel_loop3A_562 : f32 to vector<16xf32>
      %parallel_loop3A_564 = arith.mulf %parallel_loop3A_561, %parallel_loop3A_563 : vector<16xf32>
      %parallel_loop3A_565 = arith.addf %parallel_loop3A_564, %parallel_loop3A_560 : vector<16xf32>
      %parallel_loop3A_566 = arith.mulf %parallel_loop3A_425, %parallel_loop3A_565 : vector<16xf32>
      %parallel_loop3A_567 = arith.subf %parallel_loop3A_326, %parallel_loop3A_566 : vector<16xf32>
      %parallel_loop3A_568 = arith.constant 1.000000e+00 : f32
      %parallel_loop3A_569 = vector.broadcast %parallel_loop3A_568 : f32 to vector<16xf32>
      %parallel_loop3A_570 = arith.subf %parallel_loop3A_569, %parallel_loop3A_452 : vector<16xf32>
      %parallel_loop3A_571 = vector.bitcast %parallel_loop3A_570 : vector<16xf32> to vector<16xi32>
      %parallel_loop3A_572 = arith.constant 23 : i32
      %parallel_loop3A_573 = vector.broadcast %parallel_loop3A_572 : i32 to vector<16xi32>
      %parallel_loop3A_574 = arith.shrsi %parallel_loop3A_571, %parallel_loop3A_573 : vector<16xi32>
      %parallel_loop3A_575 = arith.constant 127 : i32
      %parallel_loop3A_576 = vector.broadcast %parallel_loop3A_575 : i32 to vector<16xi32>
      %parallel_loop3A_577 = arith.subi %parallel_loop3A_574, %parallel_loop3A_576 : vector<16xi32>
      %parallel_loop3A_578 = arith.constant 8388607 : i32
      %parallel_loop3A_579 = vector.broadcast %parallel_loop3A_578 : i32 to vector<16xi32>
      %parallel_loop3A_580 = arith.andi %parallel_loop3A_571, %parallel_loop3A_579 : vector<16xi32>
      %parallel_loop3A_581 = arith.constant 1065353216 : i32
      %parallel_loop3A_582 = vector.broadcast %parallel_loop3A_581 : i32 to vector<16xi32>
      %parallel_loop3A_583 = arith.ori %parallel_loop3A_580, %parallel_loop3A_582 : vector<16xi32>
      %parallel_loop3A_584 = vector.bitcast %parallel_loop3A_583 : vector<16xi32> to vector<16xf32>
      %parallel_loop3A_585 = arith.constant 1.41421354 : f32
      %parallel_loop3A_586 = vector.broadcast %parallel_loop3A_585 : f32 to vector<16xf32>
      %parallel_loop3A_587 = arith.cmpf ogt, %parallel_loop3A_584, %parallel_loop3A_586 : vector<16xf32>
      %parallel_loop3A_588 = arith.constant 5.000000e-01 : f32
      %parallel_loop3A_589 = vector.broadcast %parallel_loop3A_588 : f32 to vector<16xf32>
      %parallel_loop3A_590 = arith.mulf %parallel_loop3A_584, %parallel_loop3A_589 : vector<16xf32>
      %parallel_loop3A_591 = arith.select %parallel_loop3A_587, %parallel_loop3A_590, %parallel_loop3A_584 : vector<16xi1>, vector<16xf32>
      %parallel_loop3A_592 = arith.extui %parallel_loop3A_587 : vector<16xi1> to vector<16xi32>
      %parallel_loop3A_593 = arith.addi %parallel_loop3A_577, %parallel_loop3A_592 : vector<16xi32>
      %parallel_loop3A_594 = arith.constant 1.000000e+00 : f32
      %parallel_loop3A_595 = vector.broadcast %parallel_loop3A_594 : f32 to vector<16xf32>
      %parallel_loop3A_596 = arith.subf %parallel_loop3A_591, %parallel_loop3A_595 : vector<16xf32>
      %parallel_loop3A_597 = arith.constant 1.000000e+00 : f32
      %parallel_loop3A_598 = vector.broadcast %parallel_loop3A_597 : f32 to vector<16xf32>
      %parallel_loop3A_599 = arith.addf %parallel_loop3A_591, %parallel_loop3A_598 : vector<16xf32>
      %parallel_loop3A_600 = arith.divf %parallel_loop3A_596, %parallel_loop3A_599 : vector<16xf32>
      %parallel_loop3A_601 = arith.mulf %parallel_loop3A_600, %parallel_loop3A_600 : vector<16xf32>
      %parallel_loop3A_602 = arith.constant 2.000000e+00 : f32
      %parallel_loop3A_603 = vector.broadcast %parallel_loop3A_602 : f32 to vector<16xf32>
      %parallel_loop3A_604 = arith.mulf %parallel_loop3A_603, %parallel_loop3A_600 : vector<16xf32>
      %parallel_loop3A_605 = arith.constant 0.142857149 : f32
      %parallel_loop3A_606 = vector.broadcast %parallel_loop3A_605 : f32 to vector<16xf32>
      %parallel_loop3A_607 = arith.mulf %parallel_loop3A_601, %parallel_loop3A_606 : vector<16xf32>
      %parallel_loop3A_608 = arith.constant 2.000000e-01 : f32
      %parallel_loop3A_609 = vector.broadcast %parallel_loop3A_608 : f32 to vector<16xf32>
      %parallel_loop3A_610 = arith.addf %parallel_loop3A_609, %parallel_loop3A_607 : vector<16xf32>
      %parallel_loop3A_611 = arith.mulf %parallel_loop3A_601, %parallel_loop3A_610 : vector<16xf32>
      %parallel_loop3A_612 = arith.constant 0.333333343 : f32
      %parallel_loop3A_613 = vector.broadcast %parallel_loop3A_612 : f32 to vector<16xf32>
      %parallel_loop3A_614 = arith.addf %parallel_loop3A_613, %parallel_loop3A_611 : vector<16xf32>
      %parallel_loop3A_615 = arith.mulf %parallel_loop3A_601, %parallel_loop3A_614 : vector<16xf32>
      %parallel_loop3A_616 = arith.constant 1.000000e+00 : f32
      %parallel_loop3A_617 = vector.broadcast %parallel_loop3A_616 : f32 to vector<16xf32>
      %parallel_loop3A_618 = arith.addf %parallel_loop3A_617, %parallel_loop3A_615 : vector<16xf32>
      %parallel_loop3A_619 = arith.mulf %parallel_loop3A_604, %parallel_loop3A_618 : vector<16xf32>
      %parallel_loop3A_620 = arith.sitofp %parallel_loop3A_593 : vector<16xi32> to vector<16xf32>
      %parallel_loop3A_621 = arith.constant 0.693147182 : f32
      %parallel_loop3A_622 = vector.broadcast %parallel_loop3A_621 : f32 to vector<16xf32>
      %parallel_loop3A_623 = arith.mulf %parallel_loop3A_620, %parallel_loop3A_622 : vector<16xf32>
      %parallel_loop3A_624 = arith.addf %parallel_loop3A_623, %parallel_loop3A_619 : vector<16xf32>
      %parallel_loop3A_625 = arith.mulf %parallel_loop3A_431, %parallel_loop3A_624 : vector<16xf32>
      %parallel_loop3A_626 = arith.subf %parallel_loop3A_327, %parallel_loop3A_625 : vector<16xf32>
      %parallel_loop3A_627 = arith.addf %parallel_loop3A_328, %parallel_loop3A_425 : vector<16xf32>
      %parallel_loop3A_628 = arith.addf %parallel_loop3A_329, %parallel_loop3A_431 : vector<16xf32>
      scf.yield %parallel_loop3A_508, %parallel_loop3A_567, %parallel_loop3A_626, %parallel_loop3A_627, %parallel_loop3A_628 : vector<16xf32>, vector<16xf32>, vector<16xf32>, vector<16xf32>, vector<16xf32>
    } {sc.loop_unroll_factor = 2 : i64, sc.parallel_access}
    %reduce_sum3A = arith.constant true
    %reduce_sum3A_135 = vector.broadcast %reduce_sum3A : i1 to vector<16xi1>
    %reduce_sum3A_136 = tpu.scan <sum>, %parallel_loop3A_134#3 masked %reduce_sum3A_135 : vector<16xf32>, vector<16xi1> -> vector<16xf32>
    %reduce_sum3A_137 = vector.extract %reduce_sum3A_136[15] : f32 from vector<16xf32>
    %broadcast_in_dim3A_138 = vector.broadcast %reduce_sum3A_137 : f32 to vector<16xf32>
    %reduce_sum3A_139 = arith.constant true
    %reduce_sum3A_140 = vector.broadcast %reduce_sum3A_139 : i1 to vector<16xi1>
    %reduce_sum3A_141 = tpu.scan <sum>, %parallel_loop3A_134#4 masked %reduce_sum3A_140 : vector<16xf32>, vector<16xi1> -> vector<16xf32>
    %reduce_sum3A_142 = vector.extract %reduce_sum3A_141[15] : f32 from vector<16xf32>
    %broadcast_in_dim3A_143 = vector.broadcast %reduce_sum3A_142 : f32 to vector<16xf32>
    %reduce_sum3A_144 = arith.constant true
    %reduce_sum3A_145 = vector.broadcast %reduce_sum3A_144 : i1 to vector<16xi1>
    %reduce_sum3A_146 = tpu.scan <sum>, %parallel_loop3A_134#0 masked %reduce_sum3A_145 : vector<16xf32>, vector<16xi1> -> vector<16xf32>
    %reduce_sum3A_147 = vector.extract %reduce_sum3A_146[15] : f32 from vector<16xf32>
    %broadcast_in_dim3A_148 = vector.broadcast %reduce_sum3A_147 : f32 to vector<16xf32>
    %reduce_sum3A_149 = arith.constant true
    %reduce_sum3A_150 = vector.broadcast %reduce_sum3A_149 : i1 to vector<16xi1>
    %reduce_sum3A_151 = tpu.scan <sum>, %parallel_loop3A_134#1 masked %reduce_sum3A_150 : vector<16xf32>, vector<16xi1> -> vector<16xf32>
    %reduce_sum3A_152 = vector.extract %reduce_sum3A_151[15] : f32 from vector<16xf32>
    %broadcast_in_dim3A_153 = vector.broadcast %reduce_sum3A_152 : f32 to vector<16xf32>
    %reduce_sum3A_154 = arith.constant true
    %reduce_sum3A_155 = vector.broadcast %reduce_sum3A_154 : i1 to vector<16xi1>
    %reduce_sum3A_156 = tpu.scan <sum>, %parallel_loop3A_134#2 masked %reduce_sum3A_155 : vector<16xf32>, vector<16xi1> -> vector<16xf32>
    %reduce_sum3A_157 = vector.extract %reduce_sum3A_156[15] : f32 from vector<16xf32>
    %broadcast_in_dim3A_158 = vector.broadcast %reduce_sum3A_157 : f32 to vector<16xf32>
    %gt3A = arith.constant 5.000000e-01 : f32
    %gt3A_159 = vector.broadcast %gt3A : f32 to vector<16xf32>
    %gt3A_160 = arith.cmpf ogt, %broadcast_in_dim3A_138, %gt3A_159 : vector<16xf32>
    %gt3A_161 = arith.constant 1.500000e+00 : f32
    %gt3A_162 = vector.broadcast %gt3A_161 : f32 to vector<16xf32>
    %gt3A_163 = arith.cmpf ogt, %broadcast_in_dim3A_138, %gt3A_162 : vector<16xf32>
    %max3A = arith.constant 1.000000e+00 : f32
    %max3A_164 = vector.broadcast %max3A : f32 to vector<16xf32>
    %max3A_165 = arith.maximumf %broadcast_in_dim3A_138, %max3A_164 : vector<16xf32>
    %div3A = arith.divf %broadcast_in_dim3A_148, %max3A_165 : vector<16xf32>
    %jit3A = arith.constant 0.000000e+00 : f32
    %broadcast_in_dim3A_166 = vector.broadcast %jit3A : f32 to vector<16xf32>
    %select_n3A = arith.select %gt3A_163, %broadcast_in_dim3A_153, %broadcast_in_dim3A_166 : vector<16xi1>, vector<16xf32>
    %add3A_167 = arith.addf %select_n3A, %broadcast_in_dim3A_158 : vector<16xf32>
    %jit3A_168 = arith.constant 0.000000e+00 : f32
    %broadcast_in_dim3A_169 = vector.broadcast %jit3A_168 : f32 to vector<16xf32>
    %select_n3A_170 = arith.select %gt3A_163, %broadcast_in_dim3A_138, %broadcast_in_dim3A_169 : vector<16xi1>, vector<16xf32>
    %add3A_171 = arith.addf %select_n3A_170, %broadcast_in_dim3A_143 : vector<16xf32>
    %gt3A_172 = arith.constant 5.000000e-01 : f32
    %gt3A_173 = vector.broadcast %gt3A_172 : f32 to vector<16xf32>
    %gt3A_174 = arith.cmpf ogt, %add3A_171, %gt3A_173 : vector<16xf32>
    %max3A_175 = arith.constant 1.000000e+00 : f32
    %max3A_176 = vector.broadcast %max3A_175 : f32 to vector<16xf32>
    %max3A_177 = arith.maximumf %add3A_171, %max3A_176 : vector<16xf32>
    %div3A_178 = arith.divf %add3A_167, %max3A_177 : vector<16xf32>
    %jit3A_179 = arith.constant 0.000000e+00 : f32
    %broadcast_in_dim3A_180 = vector.broadcast %jit3A_179 : f32 to vector<16xf32>
    %select_n3A_181 = arith.select %gt3A_174, %div3A_178, %broadcast_in_dim3A_180 : vector<16xi1>, vector<16xf32>
    %mul3A_182 = arith.constant 5.000000e-01 : f32
    %mul3A_183 = vector.broadcast %mul3A_182 : f32 to vector<16xf32>
    %mul3A_184 = arith.mulf %mul3A_183, %select_n3A_181 : vector<16xf32>
    %add3A_185 = arith.addf %div3A, %mul3A_184 : vector<16xf32>
    %jit3A_186 = arith.constant 0.000000e+00 : f32
    %broadcast_in_dim3A_187 = vector.broadcast %jit3A_186 : f32 to vector<16xf32>
    %select_n3A_188 = arith.select %gt3A_160, %add3A_185, %broadcast_in_dim3A_187 : vector<16xi1>, vector<16xf32>
    %add3A_189 = arith.addf %broadcast_in_dim3A_88, %select_n3A_188 : vector<16xf32>
    %jit3A_190 = arith.constant 1.000000e+00 : f32
    %jit3A_191 = arith.constant 0.000000e+00 : f32
    %broadcast_in_dim3A_192 = vector.broadcast %jit3A_190 : f32 to vector<16xf32>
    %broadcast_in_dim3A_193 = vector.broadcast %jit3A_191 : f32 to vector<16xf32>
    %select_n3A_194 = arith.select %gt3A_160, %broadcast_in_dim3A_192, %broadcast_in_dim3A_193 : vector<16xi1>, vector<16xf32>
    %add3A_195 = arith.addf %broadcast_in_dim3A_90, %select_n3A_194 : vector<16xf32>
    %dma_wait3A_196 = arith.constant 8192 : i32
    %dma_wait3A_197 = tpu.memref_slice %arg7[%dma_wait3A_196] : memref<16384xf32, #tpu.memory_space<vmem>> -> memref<8192xf32, #tpu.memory_space<vmem>>
    %dma_wait3A_198 = arith.constant 0 : i32
    %dma_wait3A_199 = tpu.memref_slice %arg2[%add3A_47, %dma_wait3A_198] : memref<64x8192xf32, #tpu.memory_space<hbm>> -> memref<1x8192xf32, #tpu.memory_space<hbm>>
    %dma_wait3A_200 = tpu.memref_squeeze %dma_wait3A_199 : memref<1x8192xf32, #tpu.memory_space<hbm>> -> memref<8192xf32, #tpu.memory_space<hbm>>
    %dma_wait3A_201 = arith.constant 8192 : i32
    %dma_wait3A_202 = tpu.memref_slice %arg7[%dma_wait3A_201] : memref<16384xf32, #tpu.memory_space<vmem>> -> memref<8192xf32, #tpu.memory_space<vmem>>
    %dma_wait3A_203 = arith.constant 0 : i32
    %dma_wait3A_204 = tpu.memref_slice %arg2[%add3A_47, %dma_wait3A_203] : memref<64x8192xf32, #tpu.memory_space<hbm>> -> memref<1x8192xf32, #tpu.memory_space<hbm>>
    %dma_wait3A_205 = tpu.memref_squeeze %dma_wait3A_204 : memref<1x8192xf32, #tpu.memory_space<hbm>> -> memref<8192xf32, #tpu.memory_space<hbm>>
    tpu.wait_dma2 semaphore(%arg13 : memref<!tpu.dma_semaphore, #tpu.memory_space<semaphore_mem>>) src(%dma_wait3A_205 : memref<8192xf32, #tpu.memory_space<hbm>>) dst(%dma_wait3A_202 : memref<8192xf32, #tpu.memory_space<vmem>>)
    %dma_wait3A_206 = arith.constant 8192 : i32
    %dma_wait3A_207 = tpu.memref_slice %arg8[%dma_wait3A_206] : memref<16384xf32, #tpu.memory_space<vmem>> -> memref<8192xf32, #tpu.memory_space<vmem>>
    %dma_wait3A_208 = arith.constant 0 : i32
    %dma_wait3A_209 = tpu.memref_slice %arg3[%add3A_47, %dma_wait3A_208] : memref<64x8192xf32, #tpu.memory_space<hbm>> -> memref<1x8192xf32, #tpu.memory_space<hbm>>
    %dma_wait3A_210 = tpu.memref_squeeze %dma_wait3A_209 : memref<1x8192xf32, #tpu.memory_space<hbm>> -> memref<8192xf32, #tpu.memory_space<hbm>>
    %dma_wait3A_211 = arith.constant 8192 : i32
    %dma_wait3A_212 = tpu.memref_slice %arg8[%dma_wait3A_211] : memref<16384xf32, #tpu.memory_space<vmem>> -> memref<8192xf32, #tpu.memory_space<vmem>>
    %dma_wait3A_213 = arith.constant 0 : i32
    %dma_wait3A_214 = tpu.memref_slice %arg3[%add3A_47, %dma_wait3A_213] : memref<64x8192xf32, #tpu.memory_space<hbm>> -> memref<1x8192xf32, #tpu.memory_space<hbm>>
    %dma_wait3A_215 = tpu.memref_squeeze %dma_wait3A_214 : memref<1x8192xf32, #tpu.memory_space<hbm>> -> memref<8192xf32, #tpu.memory_space<hbm>>
    tpu.wait_dma2 semaphore(%arg13 : memref<!tpu.dma_semaphore, #tpu.memory_space<semaphore_mem>>) src(%dma_wait3A_215 : memref<8192xf32, #tpu.memory_space<hbm>>) dst(%dma_wait3A_212 : memref<8192xf32, #tpu.memory_space<vmem>>)
    %dma_wait3A_216 = arith.constant 512 : i32
    %dma_wait3A_217 = tpu.memref_slice %arg9[%dma_wait3A_216] : memref<1024xi32, #tpu.memory_space<vmem>> -> memref<512xi32, #tpu.memory_space<vmem>>
    %dma_wait3A_218 = arith.constant 0 : i32
    %dma_wait3A_219 = tpu.memref_slice %arg4[%add3A_47, %dma_wait3A_218] : memref<64x512xi32, #tpu.memory_space<hbm>> -> memref<1x512xi32, #tpu.memory_space<hbm>>
    %dma_wait3A_220 = tpu.memref_squeeze %dma_wait3A_219 : memref<1x512xi32, #tpu.memory_space<hbm>> -> memref<512xi32, #tpu.memory_space<hbm>>
    %dma_wait3A_221 = arith.constant 512 : i32
    %dma_wait3A_222 = tpu.memref_slice %arg9[%dma_wait3A_221] : memref<1024xi32, #tpu.memory_space<vmem>> -> memref<512xi32, #tpu.memory_space<vmem>>
    %dma_wait3A_223 = arith.constant 0 : i32
    %dma_wait3A_224 = tpu.memref_slice %arg4[%add3A_47, %dma_wait3A_223] : memref<64x512xi32, #tpu.memory_space<hbm>> -> memref<1x512xi32, #tpu.memory_space<hbm>>
    %dma_wait3A_225 = tpu.memref_squeeze %dma_wait3A_224 : memref<1x512xi32, #tpu.memory_space<hbm>> -> memref<512xi32, #tpu.memory_space<hbm>>
    tpu.wait_dma2 semaphore(%arg13 : memref<!tpu.dma_semaphore, #tpu.memory_space<semaphore_mem>>) src(%dma_wait3A_225 : memref<512xi32, #tpu.memory_space<hbm>>) dst(%dma_wait3A_222 : memref<512xi32, #tpu.memory_space<vmem>>)
    %dma_wait3A_226 = arith.constant 256 : i32
    %dma_wait3A_227 = tpu.memref_slice %arg10[%dma_wait3A_226] : memref<512xi32, #tpu.memory_space<vmem>> -> memref<256xi32, #tpu.memory_space<vmem>>
    %dma_wait3A_228 = arith.constant 0 : i32
    %dma_wait3A_229 = tpu.memref_slice %arg5[%add3A_47, %dma_wait3A_228] : memref<64x256xi32, #tpu.memory_space<hbm>> -> memref<1x256xi32, #tpu.memory_space<hbm>>
    %dma_wait3A_230 = tpu.memref_squeeze %dma_wait3A_229 : memref<1x256xi32, #tpu.memory_space<hbm>> -> memref<256xi32, #tpu.memory_space<hbm>>
    %dma_wait3A_231 = arith.constant 256 : i32
    %dma_wait3A_232 = tpu.memref_slice %arg10[%dma_wait3A_231] : memref<512xi32, #tpu.memory_space<vmem>> -> memref<256xi32, #tpu.memory_space<vmem>>
    %dma_wait3A_233 = arith.constant 0 : i32
    %dma_wait3A_234 = tpu.memref_slice %arg5[%add3A_47, %dma_wait3A_233] : memref<64x256xi32, #tpu.memory_space<hbm>> -> memref<1x256xi32, #tpu.memory_space<hbm>>
    %dma_wait3A_235 = tpu.memref_squeeze %dma_wait3A_234 : memref<1x256xi32, #tpu.memory_space<hbm>> -> memref<256xi32, #tpu.memory_space<hbm>>
    tpu.wait_dma2 semaphore(%arg13 : memref<!tpu.dma_semaphore, #tpu.memory_space<semaphore_mem>>) src(%dma_wait3A_235 : memref<256xi32, #tpu.memory_space<hbm>>) dst(%dma_wait3A_232 : memref<256xi32, #tpu.memory_space<vmem>>)
    %broadcast_in_dim3A_236 = arith.constant 0.000000e+00 : f32
    %broadcast_in_dim3A_237 = vector.broadcast %broadcast_in_dim3A_236 : f32 to vector<16xf32>
    %parallel_loop3A_238 = arith.constant 0 : i32
    %parallel_loop3A_239 = arith.constant 256 : i32
    %parallel_loop3A_240 = arith.constant 16 : i32
    %parallel_loop3A_241:5 = scf.for %parallel_loop3A_324 = %parallel_loop3A_238 to %parallel_loop3A_239 step %parallel_loop3A_240 iter_args(%parallel_loop3A_325 = %broadcast_in_dim3A_237, %parallel_loop3A_326 = %broadcast_in_dim3A_237, %parallel_loop3A_327 = %broadcast_in_dim3A_237, %parallel_loop3A_328 = %broadcast_in_dim3A_237, %parallel_loop3A_329 = %broadcast_in_dim3A_237) -> (vector<16xf32>, vector<16xf32>, vector<16xf32>, vector<16xf32>, vector<16xf32>)  : i32 {
      %parallel_loop3A_330 = vector.broadcast %parallel_loop3A_324 : i32 to vector<16xi32>
      %parallel_loop3A_331 = arith.addi %iota3A, %parallel_loop3A_330 : vector<16xi32>
      %parallel_loop3A_332 = arith.constant 2 : i32
      %parallel_loop3A_333 = vector.broadcast %parallel_loop3A_332 : i32 to vector<16xi32>
      %parallel_loop3A_334 = arith.muli %parallel_loop3A_333, %parallel_loop3A_331 : vector<16xi32>
      %parallel_loop3A_335 = arith.constant 512 : i32
      %parallel_loop3A_336 = vector.broadcast %parallel_loop3A_335 : i32 to vector<16xi32>
      %parallel_loop3A_337 = arith.addi %parallel_loop3A_334, %parallel_loop3A_336 : vector<16xi32>
      %parallel_loop3A_338 = tpu.vector_load_idx %arg9[%parallel_loop3A_337] : memref<1024xi32, #tpu.memory_space<vmem>>[vector<16xi32>], vector<16xi32>,
      %parallel_loop3A_339 = arith.constant 1 : i32
      %parallel_loop3A_340 = vector.broadcast %parallel_loop3A_339 : i32 to vector<16xi32>
      %parallel_loop3A_341 = arith.addi %parallel_loop3A_337, %parallel_loop3A_340 : vector<16xi32>
      %parallel_loop3A_342 = tpu.vector_load_idx %arg9[%parallel_loop3A_341] : memref<1024xi32, #tpu.memory_space<vmem>>[vector<16xi32>], vector<16xi32>,
      %parallel_loop3A_343 = arith.constant 256 : i32
      %parallel_loop3A_344 = arith.addi %parallel_loop3A_343, %parallel_loop3A_324 : i32
      %parallel_loop3A_345 = arith.index_cast %parallel_loop3A_344 : i32 to index
      %parallel_loop3A_346 = tpu.vector_load %arg10[%parallel_loop3A_345] {strides = array<i32>} : memref<512xi32, #tpu.memory_space<vmem>>, vector<16xi32>,
      %parallel_loop3A_347 = arith.constant 0 : i32
      %parallel_loop3A_348 = vector.broadcast %parallel_loop3A_347 : i32 to vector<16xi32>
      %parallel_loop3A_349 = arith.cmpi sge, %parallel_loop3A_338, %parallel_loop3A_348 : vector<16xi32>
      %parallel_loop3A_350 = arith.constant 8192 : i32
      %parallel_loop3A_351 = vector.broadcast %parallel_loop3A_350 : i32 to vector<16xi32>
      %parallel_loop3A_352 = arith.cmpi slt, %parallel_loop3A_338, %parallel_loop3A_351 : vector<16xi32>
      %parallel_loop3A_353 = arith.andi %parallel_loop3A_349, %parallel_loop3A_352 : vector<16xi1>
      %parallel_loop3A_354 = arith.constant 8192 : i32
      %parallel_loop3A_355 = vector.broadcast %parallel_loop3A_354 : i32 to vector<16xi32>
      %parallel_loop3A_356 = arith.cmpi slt, %parallel_loop3A_342, %parallel_loop3A_355 : vector<16xi32>
      %parallel_loop3A_357 = arith.andi %parallel_loop3A_353, %parallel_loop3A_356 : vector<16xi1>
      %parallel_loop3A_358 = arith.cmpi slt, %parallel_loop3A_338, %parallel_loop3A_342 : vector<16xi32>
      %parallel_loop3A_359 = arith.andi %parallel_loop3A_357, %parallel_loop3A_358 : vector<16xi1>
      %parallel_loop3A_360 = arith.constant 0 : i32
      %parallel_loop3A_361 = arith.constant 8191 : i32
      %parallel_loop3A_362 = vector.broadcast %parallel_loop3A_360 : i32 to vector<16xi32>
      %parallel_loop3A_363 = arith.maxsi %parallel_loop3A_362, %parallel_loop3A_338 : vector<16xi32>
      %parallel_loop3A_364 = vector.broadcast %parallel_loop3A_361 : i32 to vector<16xi32>
      %parallel_loop3A_365 = arith.minsi %parallel_loop3A_364, %parallel_loop3A_363 : vector<16xi32>
      %parallel_loop3A_366 = arith.constant 8192 : i32
      %parallel_loop3A_367 = vector.broadcast %parallel_loop3A_366 : i32 to vector<16xi32>
      %parallel_loop3A_368 = arith.addi %parallel_loop3A_365, %parallel_loop3A_367 : vector<16xi32>
      %parallel_loop3A_369 = arith.constant 0 : i32
      %parallel_loop3A_370 = arith.constant 8191 : i32
      %parallel_loop3A_371 = vector.broadcast %parallel_loop3A_369 : i32 to vector<16xi32>
      %parallel_loop3A_372 = arith.maxsi %parallel_loop3A_371, %parallel_loop3A_342 : vector<16xi32>
      %parallel_loop3A_373 = vector.broadcast %parallel_loop3A_370 : i32 to vector<16xi32>
      %parallel_loop3A_374 = arith.minsi %parallel_loop3A_373, %parallel_loop3A_372 : vector<16xi32>
      %parallel_loop3A_375 = arith.constant 8192 : i32
      %parallel_loop3A_376 = vector.broadcast %parallel_loop3A_375 : i32 to vector<16xi32>
      %parallel_loop3A_377 = arith.addi %parallel_loop3A_374, %parallel_loop3A_376 : vector<16xi32>
      %parallel_loop3A_378 = tpu.vector_load_idx %arg7[%parallel_loop3A_368] : memref<16384xf32, #tpu.memory_space<vmem>>[vector<16xi32>], vector<16xf32>,
      %parallel_loop3A_379 = tpu.vector_load_idx %arg8[%parallel_loop3A_377] : memref<16384xf32, #tpu.memory_space<vmem>>[vector<16xi32>], vector<16xf32>,
      %parallel_loop3A_380 = arith.constant 256 : i32
      %parallel_loop3A_381 = arith.addi %parallel_loop3A_324, %parallel_loop3A_380 : i32
      %parallel_loop3A_382 = arith.constant 1 : i32
      %parallel_loop3A_383 = arith.subi %parallel_loop3A_381, %parallel_loop3A_382 : i32
      %parallel_loop3A_384 = vector.broadcast %parallel_loop3A_383 : i32 to vector<16xi32>
      %parallel_loop3A_385 = arith.addi %iota3A, %parallel_loop3A_384 : vector<16xi32>
      %parallel_loop3A_386 = arith.constant 256 : i32
      %parallel_loop3A_387 = vector.broadcast %parallel_loop3A_386 : i32 to vector<16xi32>
      %parallel_loop3A_388 = arith.remsi %parallel_loop3A_385, %parallel_loop3A_387 : vector<16xi32>
      %parallel_loop3A_389 = arith.constant 2 : i32
      %parallel_loop3A_390 = vector.broadcast %parallel_loop3A_389 : i32 to vector<16xi32>
      %parallel_loop3A_391 = arith.muli %parallel_loop3A_390, %parallel_loop3A_388 : vector<16xi32>
      %parallel_loop3A_392 = arith.constant 513 : i32
      %parallel_loop3A_393 = vector.broadcast %parallel_loop3A_392 : i32 to vector<16xi32>
      %parallel_loop3A_394 = arith.addi %parallel_loop3A_391, %parallel_loop3A_393 : vector<16xi32>
      %parallel_loop3A_395 = tpu.vector_load_idx %arg9[%parallel_loop3A_394] : memref<1024xi32, #tpu.memory_space<vmem>>[vector<16xi32>], vector<16xi32>,
      %parallel_loop3A_396 = arith.constant 0 : i32
      %parallel_loop3A_397 = arith.constant 8191 : i32
      %parallel_loop3A_398 = vector.broadcast %parallel_loop3A_396 : i32 to vector<16xi32>
      %parallel_loop3A_399 = arith.maxsi %parallel_loop3A_398, %parallel_loop3A_395 : vector<16xi32>
      %parallel_loop3A_400 = vector.broadcast %parallel_loop3A_397 : i32 to vector<16xi32>
      %parallel_loop3A_401 = arith.minsi %parallel_loop3A_400, %parallel_loop3A_399 : vector<16xi32>
      %parallel_loop3A_402 = arith.constant 8192 : i32
      %parallel_loop3A_403 = vector.broadcast %parallel_loop3A_402 : i32 to vector<16xi32>
      %parallel_loop3A_404 = arith.addi %parallel_loop3A_401, %parallel_loop3A_403 : vector<16xi32>
      %parallel_loop3A_405 = tpu.vector_load_idx %arg8[%parallel_loop3A_404] : memref<16384xf32, #tpu.memory_space<vmem>>[vector<16xi32>], vector<16xf32>,
      %parallel_loop3A_406 = arith.addi %parallel_loop3A_342, %parallel_loop3A_346 : vector<16xi32>
      %parallel_loop3A_407 = arith.constant 0 : i32
      %parallel_loop3A_408 = arith.constant 8191 : i32
      %parallel_loop3A_409 = vector.broadcast %parallel_loop3A_407 : i32 to vector<16xi32>
      %parallel_loop3A_410 = arith.maxsi %parallel_loop3A_409, %parallel_loop3A_406 : vector<16xi32>
      %parallel_loop3A_411 = vector.broadcast %parallel_loop3A_408 : i32 to vector<16xi32>
      %parallel_loop3A_412 = arith.minsi %parallel_loop3A_411, %parallel_loop3A_410 : vector<16xi32>
      %parallel_loop3A_413 = arith.constant 4 : i32
      %parallel_loop3A_414 = vector.broadcast %parallel_loop3A_413 : i32 to vector<16xi32>
      %parallel_loop3A_415 = arith.addi %parallel_loop3A_338, %parallel_loop3A_414 : vector<16xi32>
      %parallel_loop3A_416 = arith.cmpi sgt, %parallel_loop3A_412, %parallel_loop3A_415 : vector<16xi32>
      %parallel_loop3A_417 = arith.constant 8192 : i32
      %parallel_loop3A_418 = vector.broadcast %parallel_loop3A_417 : i32 to vector<16xi32>
      %parallel_loop3A_419 = arith.addi %parallel_loop3A_412, %parallel_loop3A_418 : vector<16xi32>
      %parallel_loop3A_420 = tpu.vector_load_idx %arg8[%parallel_loop3A_419] : memref<16384xf32, #tpu.memory_space<vmem>>[vector<16xi32>], vector<16xf32>,
      %parallel_loop3A_421 = arith.constant 1.000000e+00 : f32
      %parallel_loop3A_422 = arith.constant 0.000000e+00 : f32
      %parallel_loop3A_423 = vector.broadcast %parallel_loop3A_421 : f32 to vector<16xf32>
      %parallel_loop3A_424 = vector.broadcast %parallel_loop3A_422 : f32 to vector<16xf32>
      %parallel_loop3A_425 = arith.select %parallel_loop3A_359, %parallel_loop3A_423, %parallel_loop3A_424 : vector<16xi1>, vector<16xf32>
      %parallel_loop3A_426 = arith.andi %parallel_loop3A_359, %parallel_loop3A_416 : vector<16xi1>
      %parallel_loop3A_427 = arith.constant 1.000000e+00 : f32
      %parallel_loop3A_428 = arith.constant 0.000000e+00 : f32
      %parallel_loop3A_429 = vector.broadcast %parallel_loop3A_427 : f32 to vector<16xf32>
      %parallel_loop3A_430 = vector.broadcast %parallel_loop3A_428 : f32 to vector<16xf32>
      %parallel_loop3A_431 = arith.select %parallel_loop3A_426, %parallel_loop3A_429, %parallel_loop3A_430 : vector<16xi1>, vector<16xf32>
      %parallel_loop3A_432 = arith.mulf %parallel_loop3A_378, %parallel_loop3A_379 : vector<16xf32>
      %parallel_loop3A_433 = arith.constant 9.99999997E-7 : f32
      %parallel_loop3A_434 = arith.constant 0.999998986 : f32
      %parallel_loop3A_435 = vector.broadcast %parallel_loop3A_433 : f32 to vector<16xf32>
      %parallel_loop3A_436 = arith.maximumf %parallel_loop3A_435, %parallel_loop3A_432 : vector<16xf32>
      %parallel_loop3A_437 = vector.broadcast %parallel_loop3A_434 : f32 to vector<16xf32>
      %parallel_loop3A_438 = arith.minimumf %parallel_loop3A_437, %parallel_loop3A_436 : vector<16xf32>
      %parallel_loop3A_439 = arith.mulf %parallel_loop3A_378, %parallel_loop3A_405 : vector<16xf32>
      %parallel_loop3A_440 = arith.constant 9.99999997E-7 : f32
      %parallel_loop3A_441 = arith.constant 0.999998986 : f32
      %parallel_loop3A_442 = vector.broadcast %parallel_loop3A_440 : f32 to vector<16xf32>
      %parallel_loop3A_443 = arith.maximumf %parallel_loop3A_442, %parallel_loop3A_439 : vector<16xf32>
      %parallel_loop3A_444 = vector.broadcast %parallel_loop3A_441 : f32 to vector<16xf32>
      %parallel_loop3A_445 = arith.minimumf %parallel_loop3A_444, %parallel_loop3A_443 : vector<16xf32>
      %parallel_loop3A_446 = arith.mulf %parallel_loop3A_378, %parallel_loop3A_420 : vector<16xf32>
      %parallel_loop3A_447 = arith.constant 9.99999997E-7 : f32
      %parallel_loop3A_448 = arith.constant 0.999998986 : f32
      %parallel_loop3A_449 = vector.broadcast %parallel_loop3A_447 : f32 to vector<16xf32>
      %parallel_loop3A_450 = arith.maximumf %parallel_loop3A_449, %parallel_loop3A_446 : vector<16xf32>
      %parallel_loop3A_451 = vector.broadcast %parallel_loop3A_448 : f32 to vector<16xf32>
      %parallel_loop3A_452 = arith.minimumf %parallel_loop3A_451, %parallel_loop3A_450 : vector<16xf32>
      %parallel_loop3A_453 = vector.bitcast %parallel_loop3A_438 : vector<16xf32> to vector<16xi32>
      %parallel_loop3A_454 = arith.constant 23 : i32
      %parallel_loop3A_455 = vector.broadcast %parallel_loop3A_454 : i32 to vector<16xi32>
      %parallel_loop3A_456 = arith.shrsi %parallel_loop3A_453, %parallel_loop3A_455 : vector<16xi32>
      %parallel_loop3A_457 = arith.constant 127 : i32
      %parallel_loop3A_458 = vector.broadcast %parallel_loop3A_457 : i32 to vector<16xi32>
      %parallel_loop3A_459 = arith.subi %parallel_loop3A_456, %parallel_loop3A_458 : vector<16xi32>
      %parallel_loop3A_460 = arith.constant 8388607 : i32
      %parallel_loop3A_461 = vector.broadcast %parallel_loop3A_460 : i32 to vector<16xi32>
      %parallel_loop3A_462 = arith.andi %parallel_loop3A_453, %parallel_loop3A_461 : vector<16xi32>
      %parallel_loop3A_463 = arith.constant 1065353216 : i32
      %parallel_loop3A_464 = vector.broadcast %parallel_loop3A_463 : i32 to vector<16xi32>
      %parallel_loop3A_465 = arith.ori %parallel_loop3A_462, %parallel_loop3A_464 : vector<16xi32>
      %parallel_loop3A_466 = vector.bitcast %parallel_loop3A_465 : vector<16xi32> to vector<16xf32>
      %parallel_loop3A_467 = arith.constant 1.41421354 : f32
      %parallel_loop3A_468 = vector.broadcast %parallel_loop3A_467 : f32 to vector<16xf32>
      %parallel_loop3A_469 = arith.cmpf ogt, %parallel_loop3A_466, %parallel_loop3A_468 : vector<16xf32>
      %parallel_loop3A_470 = arith.constant 5.000000e-01 : f32
      %parallel_loop3A_471 = vector.broadcast %parallel_loop3A_470 : f32 to vector<16xf32>
      %parallel_loop3A_472 = arith.mulf %parallel_loop3A_466, %parallel_loop3A_471 : vector<16xf32>
      %parallel_loop3A_473 = arith.select %parallel_loop3A_469, %parallel_loop3A_472, %parallel_loop3A_466 : vector<16xi1>, vector<16xf32>
      %parallel_loop3A_474 = arith.extui %parallel_loop3A_469 : vector<16xi1> to vector<16xi32>
      %parallel_loop3A_475 = arith.addi %parallel_loop3A_459, %parallel_loop3A_474 : vector<16xi32>
      %parallel_loop3A_476 = arith.constant 1.000000e+00 : f32
      %parallel_loop3A_477 = vector.broadcast %parallel_loop3A_476 : f32 to vector<16xf32>
      %parallel_loop3A_478 = arith.subf %parallel_loop3A_473, %parallel_loop3A_477 : vector<16xf32>
      %parallel_loop3A_479 = arith.constant 1.000000e+00 : f32
      %parallel_loop3A_480 = vector.broadcast %parallel_loop3A_479 : f32 to vector<16xf32>
      %parallel_loop3A_481 = arith.addf %parallel_loop3A_473, %parallel_loop3A_480 : vector<16xf32>
      %parallel_loop3A_482 = arith.divf %parallel_loop3A_478, %parallel_loop3A_481 : vector<16xf32>
      %parallel_loop3A_483 = arith.mulf %parallel_loop3A_482, %parallel_loop3A_482 : vector<16xf32>
      %parallel_loop3A_484 = arith.constant 2.000000e+00 : f32
      %parallel_loop3A_485 = vector.broadcast %parallel_loop3A_484 : f32 to vector<16xf32>
      %parallel_loop3A_486 = arith.mulf %parallel_loop3A_485, %parallel_loop3A_482 : vector<16xf32>
      %parallel_loop3A_487 = arith.constant 0.142857149 : f32
      %parallel_loop3A_488 = vector.broadcast %parallel_loop3A_487 : f32 to vector<16xf32>
      %parallel_loop3A_489 = arith.mulf %parallel_loop3A_483, %parallel_loop3A_488 : vector<16xf32>
      %parallel_loop3A_490 = arith.constant 2.000000e-01 : f32
      %parallel_loop3A_491 = vector.broadcast %parallel_loop3A_490 : f32 to vector<16xf32>
      %parallel_loop3A_492 = arith.addf %parallel_loop3A_491, %parallel_loop3A_489 : vector<16xf32>
      %parallel_loop3A_493 = arith.mulf %parallel_loop3A_483, %parallel_loop3A_492 : vector<16xf32>
      %parallel_loop3A_494 = arith.constant 0.333333343 : f32
      %parallel_loop3A_495 = vector.broadcast %parallel_loop3A_494 : f32 to vector<16xf32>
      %parallel_loop3A_496 = arith.addf %parallel_loop3A_495, %parallel_loop3A_493 : vector<16xf32>
      %parallel_loop3A_497 = arith.mulf %parallel_loop3A_483, %parallel_loop3A_496 : vector<16xf32>
      %parallel_loop3A_498 = arith.constant 1.000000e+00 : f32
      %parallel_loop3A_499 = vector.broadcast %parallel_loop3A_498 : f32 to vector<16xf32>
      %parallel_loop3A_500 = arith.addf %parallel_loop3A_499, %parallel_loop3A_497 : vector<16xf32>
      %parallel_loop3A_501 = arith.mulf %parallel_loop3A_486, %parallel_loop3A_500 : vector<16xf32>
      %parallel_loop3A_502 = arith.sitofp %parallel_loop3A_475 : vector<16xi32> to vector<16xf32>
      %parallel_loop3A_503 = arith.constant 0.693147182 : f32
      %parallel_loop3A_504 = vector.broadcast %parallel_loop3A_503 : f32 to vector<16xf32>
      %parallel_loop3A_505 = arith.mulf %parallel_loop3A_502, %parallel_loop3A_504 : vector<16xf32>
      %parallel_loop3A_506 = arith.addf %parallel_loop3A_505, %parallel_loop3A_501 : vector<16xf32>
      %parallel_loop3A_507 = arith.mulf %parallel_loop3A_425, %parallel_loop3A_506 : vector<16xf32>
      %parallel_loop3A_508 = arith.subf %parallel_loop3A_325, %parallel_loop3A_507 : vector<16xf32>
      %parallel_loop3A_509 = arith.constant 1.000000e+00 : f32
      %parallel_loop3A_510 = vector.broadcast %parallel_loop3A_509 : f32 to vector<16xf32>
      %parallel_loop3A_511 = arith.subf %parallel_loop3A_510, %parallel_loop3A_445 : vector<16xf32>
      %parallel_loop3A_512 = vector.bitcast %parallel_loop3A_511 : vector<16xf32> to vector<16xi32>
      %parallel_loop3A_513 = arith.constant 23 : i32
      %parallel_loop3A_514 = vector.broadcast %parallel_loop3A_513 : i32 to vector<16xi32>
      %parallel_loop3A_515 = arith.shrsi %parallel_loop3A_512, %parallel_loop3A_514 : vector<16xi32>
      %parallel_loop3A_516 = arith.constant 127 : i32
      %parallel_loop3A_517 = vector.broadcast %parallel_loop3A_516 : i32 to vector<16xi32>
      %parallel_loop3A_518 = arith.subi %parallel_loop3A_515, %parallel_loop3A_517 : vector<16xi32>
      %parallel_loop3A_519 = arith.constant 8388607 : i32
      %parallel_loop3A_520 = vector.broadcast %parallel_loop3A_519 : i32 to vector<16xi32>
      %parallel_loop3A_521 = arith.andi %parallel_loop3A_512, %parallel_loop3A_520 : vector<16xi32>
      %parallel_loop3A_522 = arith.constant 1065353216 : i32
      %parallel_loop3A_523 = vector.broadcast %parallel_loop3A_522 : i32 to vector<16xi32>
      %parallel_loop3A_524 = arith.ori %parallel_loop3A_521, %parallel_loop3A_523 : vector<16xi32>
      %parallel_loop3A_525 = vector.bitcast %parallel_loop3A_524 : vector<16xi32> to vector<16xf32>
      %parallel_loop3A_526 = arith.constant 1.41421354 : f32
      %parallel_loop3A_527 = vector.broadcast %parallel_loop3A_526 : f32 to vector<16xf32>
      %parallel_loop3A_528 = arith.cmpf ogt, %parallel_loop3A_525, %parallel_loop3A_527 : vector<16xf32>
      %parallel_loop3A_529 = arith.constant 5.000000e-01 : f32
      %parallel_loop3A_530 = vector.broadcast %parallel_loop3A_529 : f32 to vector<16xf32>
      %parallel_loop3A_531 = arith.mulf %parallel_loop3A_525, %parallel_loop3A_530 : vector<16xf32>
      %parallel_loop3A_532 = arith.select %parallel_loop3A_528, %parallel_loop3A_531, %parallel_loop3A_525 : vector<16xi1>, vector<16xf32>
      %parallel_loop3A_533 = arith.extui %parallel_loop3A_528 : vector<16xi1> to vector<16xi32>
      %parallel_loop3A_534 = arith.addi %parallel_loop3A_518, %parallel_loop3A_533 : vector<16xi32>
      %parallel_loop3A_535 = arith.constant 1.000000e+00 : f32
      %parallel_loop3A_536 = vector.broadcast %parallel_loop3A_535 : f32 to vector<16xf32>
      %parallel_loop3A_537 = arith.subf %parallel_loop3A_532, %parallel_loop3A_536 : vector<16xf32>
      %parallel_loop3A_538 = arith.constant 1.000000e+00 : f32
      %parallel_loop3A_539 = vector.broadcast %parallel_loop3A_538 : f32 to vector<16xf32>
      %parallel_loop3A_540 = arith.addf %parallel_loop3A_532, %parallel_loop3A_539 : vector<16xf32>
      %parallel_loop3A_541 = arith.divf %parallel_loop3A_537, %parallel_loop3A_540 : vector<16xf32>
      %parallel_loop3A_542 = arith.mulf %parallel_loop3A_541, %parallel_loop3A_541 : vector<16xf32>
      %parallel_loop3A_543 = arith.constant 2.000000e+00 : f32
      %parallel_loop3A_544 = vector.broadcast %parallel_loop3A_543 : f32 to vector<16xf32>
      %parallel_loop3A_545 = arith.mulf %parallel_loop3A_544, %parallel_loop3A_541 : vector<16xf32>
      %parallel_loop3A_546 = arith.constant 0.142857149 : f32
      %parallel_loop3A_547 = vector.broadcast %parallel_loop3A_546 : f32 to vector<16xf32>
      %parallel_loop3A_548 = arith.mulf %parallel_loop3A_542, %parallel_loop3A_547 : vector<16xf32>
      %parallel_loop3A_549 = arith.constant 2.000000e-01 : f32
      %parallel_loop3A_550 = vector.broadcast %parallel_loop3A_549 : f32 to vector<16xf32>
      %parallel_loop3A_551 = arith.addf %parallel_loop3A_550, %parallel_loop3A_548 : vector<16xf32>
      %parallel_loop3A_552 = arith.mulf %parallel_loop3A_542, %parallel_loop3A_551 : vector<16xf32>
      %parallel_loop3A_553 = arith.constant 0.333333343 : f32
      %parallel_loop3A_554 = vector.broadcast %parallel_loop3A_553 : f32 to vector<16xf32>
      %parallel_loop3A_555 = arith.addf %parallel_loop3A_554, %parallel_loop3A_552 : vector<16xf32>
      %parallel_loop3A_556 = arith.mulf %parallel_loop3A_542, %parallel_loop3A_555 : vector<16xf32>
      %parallel_loop3A_557 = arith.constant 1.000000e+00 : f32
      %parallel_loop3A_558 = vector.broadcast %parallel_loop3A_557 : f32 to vector<16xf32>
      %parallel_loop3A_559 = arith.addf %parallel_loop3A_558, %parallel_loop3A_556 : vector<16xf32>
      %parallel_loop3A_560 = arith.mulf %parallel_loop3A_545, %parallel_loop3A_559 : vector<16xf32>
      %parallel_loop3A_561 = arith.sitofp %parallel_loop3A_534 : vector<16xi32> to vector<16xf32>
      %parallel_loop3A_562 = arith.constant 0.693147182 : f32
      %parallel_loop3A_563 = vector.broadcast %parallel_loop3A_562 : f32 to vector<16xf32>
      %parallel_loop3A_564 = arith.mulf %parallel_loop3A_561, %parallel_loop3A_563 : vector<16xf32>
      %parallel_loop3A_565 = arith.addf %parallel_loop3A_564, %parallel_loop3A_560 : vector<16xf32>
      %parallel_loop3A_566 = arith.mulf %parallel_loop3A_425, %parallel_loop3A_565 : vector<16xf32>
      %parallel_loop3A_567 = arith.subf %parallel_loop3A_326, %parallel_loop3A_566 : vector<16xf32>
      %parallel_loop3A_568 = arith.constant 1.000000e+00 : f32
      %parallel_loop3A_569 = vector.broadcast %parallel_loop3A_568 : f32 to vector<16xf32>
      %parallel_loop3A_570 = arith.subf %parallel_loop3A_569, %parallel_loop3A_452 : vector<16xf32>
      %parallel_loop3A_571 = vector.bitcast %parallel_loop3A_570 : vector<16xf32> to vector<16xi32>
      %parallel_loop3A_572 = arith.constant 23 : i32
      %parallel_loop3A_573 = vector.broadcast %parallel_loop3A_572 : i32 to vector<16xi32>
      %parallel_loop3A_574 = arith.shrsi %parallel_loop3A_571, %parallel_loop3A_573 : vector<16xi32>
      %parallel_loop3A_575 = arith.constant 127 : i32
      %parallel_loop3A_576 = vector.broadcast %parallel_loop3A_575 : i32 to vector<16xi32>
      %parallel_loop3A_577 = arith.subi %parallel_loop3A_574, %parallel_loop3A_576 : vector<16xi32>
      %parallel_loop3A_578 = arith.constant 8388607 : i32
      %parallel_loop3A_579 = vector.broadcast %parallel_loop3A_578 : i32 to vector<16xi32>
      %parallel_loop3A_580 = arith.andi %parallel_loop3A_571, %parallel_loop3A_579 : vector<16xi32>
      %parallel_loop3A_581 = arith.constant 1065353216 : i32
      %parallel_loop3A_582 = vector.broadcast %parallel_loop3A_581 : i32 to vector<16xi32>
      %parallel_loop3A_583 = arith.ori %parallel_loop3A_580, %parallel_loop3A_582 : vector<16xi32>
      %parallel_loop3A_584 = vector.bitcast %parallel_loop3A_583 : vector<16xi32> to vector<16xf32>
      %parallel_loop3A_585 = arith.constant 1.41421354 : f32
      %parallel_loop3A_586 = vector.broadcast %parallel_loop3A_585 : f32 to vector<16xf32>
      %parallel_loop3A_587 = arith.cmpf ogt, %parallel_loop3A_584, %parallel_loop3A_586 : vector<16xf32>
      %parallel_loop3A_588 = arith.constant 5.000000e-01 : f32
      %parallel_loop3A_589 = vector.broadcast %parallel_loop3A_588 : f32 to vector<16xf32>
      %parallel_loop3A_590 = arith.mulf %parallel_loop3A_584, %parallel_loop3A_589 : vector<16xf32>
      %parallel_loop3A_591 = arith.select %parallel_loop3A_587, %parallel_loop3A_590, %parallel_loop3A_584 : vector<16xi1>, vector<16xf32>
      %parallel_loop3A_592 = arith.extui %parallel_loop3A_587 : vector<16xi1> to vector<16xi32>
      %parallel_loop3A_593 = arith.addi %parallel_loop3A_577, %parallel_loop3A_592 : vector<16xi32>
      %parallel_loop3A_594 = arith.constant 1.000000e+00 : f32
      %parallel_loop3A_595 = vector.broadcast %parallel_loop3A_594 : f32 to vector<16xf32>
      %parallel_loop3A_596 = arith.subf %parallel_loop3A_591, %parallel_loop3A_595 : vector<16xf32>
      %parallel_loop3A_597 = arith.constant 1.000000e+00 : f32
      %parallel_loop3A_598 = vector.broadcast %parallel_loop3A_597 : f32 to vector<16xf32>
      %parallel_loop3A_599 = arith.addf %parallel_loop3A_591, %parallel_loop3A_598 : vector<16xf32>
      %parallel_loop3A_600 = arith.divf %parallel_loop3A_596, %parallel_loop3A_599 : vector<16xf32>
      %parallel_loop3A_601 = arith.mulf %parallel_loop3A_600, %parallel_loop3A_600 : vector<16xf32>
      %parallel_loop3A_602 = arith.constant 2.000000e+00 : f32
      %parallel_loop3A_603 = vector.broadcast %parallel_loop3A_602 : f32 to vector<16xf32>
      %parallel_loop3A_604 = arith.mulf %parallel_loop3A_603, %parallel_loop3A_600 : vector<16xf32>
      %parallel_loop3A_605 = arith.constant 0.142857149 : f32
      %parallel_loop3A_606 = vector.broadcast %parallel_loop3A_605 : f32 to vector<16xf32>
      %parallel_loop3A_607 = arith.mulf %parallel_loop3A_601, %parallel_loop3A_606 : vector<16xf32>
      %parallel_loop3A_608 = arith.constant 2.000000e-01 : f32
      %parallel_loop3A_609 = vector.broadcast %parallel_loop3A_608 : f32 to vector<16xf32>
      %parallel_loop3A_610 = arith.addf %parallel_loop3A_609, %parallel_loop3A_607 : vector<16xf32>
      %parallel_loop3A_611 = arith.mulf %parallel_loop3A_601, %parallel_loop3A_610 : vector<16xf32>
      %parallel_loop3A_612 = arith.constant 0.333333343 : f32
      %parallel_loop3A_613 = vector.broadcast %parallel_loop3A_612 : f32 to vector<16xf32>
      %parallel_loop3A_614 = arith.addf %parallel_loop3A_613, %parallel_loop3A_611 : vector<16xf32>
      %parallel_loop3A_615 = arith.mulf %parallel_loop3A_601, %parallel_loop3A_614 : vector<16xf32>
      %parallel_loop3A_616 = arith.constant 1.000000e+00 : f32
      %parallel_loop3A_617 = vector.broadcast %parallel_loop3A_616 : f32 to vector<16xf32>
      %parallel_loop3A_618 = arith.addf %parallel_loop3A_617, %parallel_loop3A_615 : vector<16xf32>
      %parallel_loop3A_619 = arith.mulf %parallel_loop3A_604, %parallel_loop3A_618 : vector<16xf32>
      %parallel_loop3A_620 = arith.sitofp %parallel_loop3A_593 : vector<16xi32> to vector<16xf32>
      %parallel_loop3A_621 = arith.constant 0.693147182 : f32
      %parallel_loop3A_622 = vector.broadcast %parallel_loop3A_621 : f32 to vector<16xf32>
      %parallel_loop3A_623 = arith.mulf %parallel_loop3A_620, %parallel_loop3A_622 : vector<16xf32>
      %parallel_loop3A_624 = arith.addf %parallel_loop3A_623, %parallel_loop3A_619 : vector<16xf32>
      %parallel_loop3A_625 = arith.mulf %parallel_loop3A_431, %parallel_loop3A_624 : vector<16xf32>
      %parallel_loop3A_626 = arith.subf %parallel_loop3A_327, %parallel_loop3A_625 : vector<16xf32>
      %parallel_loop3A_627 = arith.addf %parallel_loop3A_328, %parallel_loop3A_425 : vector<16xf32>
      %parallel_loop3A_628 = arith.addf %parallel_loop3A_329, %parallel_loop3A_431 : vector<16xf32>
      scf.yield %parallel_loop3A_508, %parallel_loop3A_567, %parallel_loop3A_626, %parallel_loop3A_627, %parallel_loop3A_628 : vector<16xf32>, vector<16xf32>, vector<16xf32>, vector<16xf32>, vector<16xf32>
    } {sc.loop_unroll_factor = 2 : i64, sc.parallel_access}
    %reduce_sum3A_242 = arith.constant true
    %reduce_sum3A_243 = vector.broadcast %reduce_sum3A_242 : i1 to vector<16xi1>
    %reduce_sum3A_244 = tpu.scan <sum>, %parallel_loop3A_241#3 masked %reduce_sum3A_243 : vector<16xf32>, vector<16xi1> -> vector<16xf32>
    %reduce_sum3A_245 = vector.extract %reduce_sum3A_244[15] : f32 from vector<16xf32>
    %broadcast_in_dim3A_246 = vector.broadcast %reduce_sum3A_245 : f32 to vector<16xf32>
    %reduce_sum3A_247 = arith.constant true
    %reduce_sum3A_248 = vector.broadcast %reduce_sum3A_247 : i1 to vector<16xi1>
    %reduce_sum3A_249 = tpu.scan <sum>, %parallel_loop3A_241#4 masked %reduce_sum3A_248 : vector<16xf32>, vector<16xi1> -> vector<16xf32>
    %reduce_sum3A_250 = vector.extract %reduce_sum3A_249[15] : f32 from vector<16xf32>
    %broadcast_in_dim3A_251 = vector.broadcast %reduce_sum3A_250 : f32 to vector<16xf32>
    %reduce_sum3A_252 = arith.constant true
    %reduce_sum3A_253 = vector.broadcast %reduce_sum3A_252 : i1 to vector<16xi1>
    %reduce_sum3A_254 = tpu.scan <sum>, %parallel_loop3A_241#0 masked %reduce_sum3A_253 : vector<16xf32>, vector<16xi1> -> vector<16xf32>
    %reduce_sum3A_255 = vector.extract %reduce_sum3A_254[15] : f32 from vector<16xf32>
    %broadcast_in_dim3A_256 = vector.broadcast %reduce_sum3A_255 : f32 to vector<16xf32>
    %reduce_sum3A_257 = arith.constant true
    %reduce_sum3A_258 = vector.broadcast %reduce_sum3A_257 : i1 to vector<16xi1>
    %reduce_sum3A_259 = tpu.scan <sum>, %parallel_loop3A_241#1 masked %reduce_sum3A_258 : vector<16xf32>, vector<16xi1> -> vector<16xf32>
    %reduce_sum3A_260 = vector.extract %reduce_sum3A_259[15] : f32 from vector<16xf32>
    %broadcast_in_dim3A_261 = vector.broadcast %reduce_sum3A_260 : f32 to vector<16xf32>
    %reduce_sum3A_262 = arith.constant true
    %reduce_sum3A_263 = vector.broadcast %reduce_sum3A_262 : i1 to vector<16xi1>
    %reduce_sum3A_264 = tpu.scan <sum>, %parallel_loop3A_241#2 masked %reduce_sum3A_263 : vector<16xf32>, vector<16xi1> -> vector<16xf32>
    %reduce_sum3A_265 = vector.extract %reduce_sum3A_264[15] : f32 from vector<16xf32>
    %broadcast_in_dim3A_266 = vector.broadcast %reduce_sum3A_265 : f32 to vector<16xf32>
    %gt3A_267 = arith.constant 5.000000e-01 : f32
    %gt3A_268 = vector.broadcast %gt3A_267 : f32 to vector<16xf32>
    %gt3A_269 = arith.cmpf ogt, %broadcast_in_dim3A_246, %gt3A_268 : vector<16xf32>
    %gt3A_270 = arith.constant 1.500000e+00 : f32
    %gt3A_271 = vector.broadcast %gt3A_270 : f32 to vector<16xf32>
    %gt3A_272 = arith.cmpf ogt, %broadcast_in_dim3A_246, %gt3A_271 : vector<16xf32>
    %max3A_273 = arith.constant 1.000000e+00 : f32
    %max3A_274 = vector.broadcast %max3A_273 : f32 to vector<16xf32>
    %max3A_275 = arith.maximumf %broadcast_in_dim3A_246, %max3A_274 : vector<16xf32>
    %div3A_276 = arith.divf %broadcast_in_dim3A_256, %max3A_275 : vector<16xf32>
    %jit3A_277 = arith.constant 0.000000e+00 : f32
    %broadcast_in_dim3A_278 = vector.broadcast %jit3A_277 : f32 to vector<16xf32>
    %select_n3A_279 = arith.select %gt3A_272, %broadcast_in_dim3A_261, %broadcast_in_dim3A_278 : vector<16xi1>, vector<16xf32>
    %add3A_280 = arith.addf %select_n3A_279, %broadcast_in_dim3A_266 : vector<16xf32>
    %jit3A_281 = arith.constant 0.000000e+00 : f32
    %broadcast_in_dim3A_282 = vector.broadcast %jit3A_281 : f32 to vector<16xf32>
    %select_n3A_283 = arith.select %gt3A_272, %broadcast_in_dim3A_246, %broadcast_in_dim3A_282 : vector<16xi1>, vector<16xf32>
    %add3A_284 = arith.addf %select_n3A_283, %broadcast_in_dim3A_251 : vector<16xf32>
    %gt3A_285 = arith.constant 5.000000e-01 : f32
    %gt3A_286 = vector.broadcast %gt3A_285 : f32 to vector<16xf32>
    %gt3A_287 = arith.cmpf ogt, %add3A_284, %gt3A_286 : vector<16xf32>
    %max3A_288 = arith.constant 1.000000e+00 : f32
    %max3A_289 = vector.broadcast %max3A_288 : f32 to vector<16xf32>
    %max3A_290 = arith.maximumf %add3A_284, %max3A_289 : vector<16xf32>
    %div3A_291 = arith.divf %add3A_280, %max3A_290 : vector<16xf32>
    %jit3A_292 = arith.constant 0.000000e+00 : f32
    %broadcast_in_dim3A_293 = vector.broadcast %jit3A_292 : f32 to vector<16xf32>
    %select_n3A_294 = arith.select %gt3A_287, %div3A_291, %broadcast_in_dim3A_293 : vector<16xi1>, vector<16xf32>
    %mul3A_295 = arith.constant 5.000000e-01 : f32
    %mul3A_296 = vector.broadcast %mul3A_295 : f32 to vector<16xf32>
    %mul3A_297 = arith.mulf %mul3A_296, %select_n3A_294 : vector<16xf32>
    %add3A_298 = arith.addf %div3A_276, %mul3A_297 : vector<16xf32>
    %jit3A_299 = arith.constant 0.000000e+00 : f32
    %broadcast_in_dim3A_300 = vector.broadcast %jit3A_299 : f32 to vector<16xf32>
    %select_n3A_301 = arith.select %gt3A_269, %add3A_298, %broadcast_in_dim3A_300 : vector<16xi1>, vector<16xf32>
    %add3A_302 = arith.addf %add3A_189, %select_n3A_301 : vector<16xf32>
    %jit3A_303 = arith.constant 1.000000e+00 : f32
    %jit3A_304 = arith.constant 0.000000e+00 : f32
    %broadcast_in_dim3A_305 = vector.broadcast %jit3A_303 : f32 to vector<16xf32>
    %broadcast_in_dim3A_306 = vector.broadcast %jit3A_304 : f32 to vector<16xf32>
    %select_n3A_307 = arith.select %gt3A_269, %broadcast_in_dim3A_305, %broadcast_in_dim3A_306 : vector<16xi1>, vector<16xf32>
    %add3A_308 = arith.addf %add3A_195, %select_n3A_307 : vector<16xf32>
    %eq3A = arith.constant 0 : i32
    %eq3A_309 = vector.broadcast %eq3A : i32 to vector<16xi32>
    %eq3A_310 = arith.cmpi eq, %iota3A, %eq3A_309 : vector<16xi32>
    %jit3A_311 = arith.constant 0.000000e+00 : f32
    %broadcast_in_dim3A_312 = vector.broadcast %jit3A_311 : f32 to vector<16xf32>
    %select_n3A_313 = arith.select %eq3A_310, %add3A_302, %broadcast_in_dim3A_312 : vector<16xi1>, vector<16xf32>
    %eq3A_314 = arith.constant 1 : i32
    %eq3A_315 = vector.broadcast %eq3A_314 : i32 to vector<16xi32>
    %eq3A_316 = arith.cmpi eq, %iota3A, %eq3A_315 : vector<16xi32>
    %jit3A_317 = arith.constant 0.000000e+00 : f32
    %broadcast_in_dim3A_318 = vector.broadcast %jit3A_317 : f32 to vector<16xf32>
    %select_n3A_319 = arith.select %eq3A_316, %add3A_308, %broadcast_in_dim3A_318 : vector<16xi1>, vector<16xf32>
    %add3A_320 = arith.addf %select_n3A_313, %select_n3A_319 : vector<16xf32>
    %swap3A = arith.constant 0 : index
    %swap3A_321 = tpu.vector_load %arg11[%swap3A] {strides = array<i32>} : memref<16xf32, #tpu.memory_space<vmem>>, vector<16xf32>,
    tpu.vector_store %arg11[%swap3A], %add3A_320 {strides = array<i32>} : memref<16xf32, #tpu.memory_space<vmem>>, vector<16xf32>,
    %mul3A_322 = arith.constant 16 : i32
    %mul3A_323 = arith.muli %add3A, %mul3A_322 : i32
    "tpu.region"() ({
      %run_scoped3A = tpu.sem_alloc : memref<!tpu.dma_semaphore, #tpu.memory_space<semaphore_mem>>
      %dma_start3A_324 = tpu.memref_slice %arg6[%mul3A_323] : memref<512xf32, #tpu.memory_space<hbm>> -> memref<16xf32, #tpu.memory_space<hbm>>
      %dma_start3A_325 = tpu.memref_slice %arg6[%mul3A_323] : memref<512xf32, #tpu.memory_space<hbm>> -> memref<16xf32, #tpu.memory_space<hbm>>
      tpu.enqueue_dma source(%arg11 : memref<16xf32, #tpu.memory_space<vmem>>) target(%dma_start3A_325 : memref<16xf32, #tpu.memory_space<hbm>>) target_semaphore(%run_scoped3A : memref<!tpu.dma_semaphore, #tpu.memory_space<semaphore_mem>>)
      %dma_wait3A_326 = tpu.memref_slice %arg6[%mul3A_323] : memref<512xf32, #tpu.memory_space<hbm>> -> memref<16xf32, #tpu.memory_space<hbm>>
      %dma_wait3A_327 = tpu.memref_slice %arg6[%mul3A_323] : memref<512xf32, #tpu.memory_space<hbm>> -> memref<16xf32, #tpu.memory_space<hbm>>
      tpu.wait_dma2 semaphore(%run_scoped3A : memref<!tpu.dma_semaphore, #tpu.memory_space<semaphore_mem>>) src(%arg11 : memref<16xf32, #tpu.memory_space<vmem>>) dst(%dma_wait3A_327 : memref<16xf32, #tpu.memory_space<hbm>>)
      tpu.yield
    }) : () -> ()
    return
  }
}

module attributes {stable_mosaic.version = 14 : i64} {
  func.func @_tc_combine_body(%arg0: memref<4x128xf32, #tpu.memory_space<vmem>>, %arg1: memref<1x1xf32, #tpu.memory_space<vmem>>, %arg2: memref<1x1xf32, #tpu.memory_space<smem>>, %arg3: memref<1x1xf32, #tpu.memory_space<smem>>, %arg4: memref<1x1xf32, #tpu.memory_space<smem>>) attributes {dimension_semantics = [], scalar_prefetch = 0 : i64, scratch_operands = 0 : i64, tpu.core_type = #tpu.core_type<tc>} {
    %get3A = arith.constant 0 : index
    %get3A_0 = arith.constant 0 : index
    %get3A_1 = vector.load %arg0[%get3A, %get3A_0] : memref<4x128xf32, #tpu.memory_space<vmem>>, vector<4x128xf32>
    %iota3A = tpu.iota {dimensions = array<i32: 1>} : vector<4x128xi32>
    %rem3A = arith.constant 16 : i32
    %rem3A_2 = vector.broadcast %rem3A : i32 to vector<4x128xi32>
    %rem3A_3 = arith.remsi %iota3A, %rem3A_2 : vector<4x128xi32>
    %eq3A = arith.constant 0 : i32
    %eq3A_4 = vector.broadcast %eq3A : i32 to vector<4x128xi32>
    %eq3A_5 = arith.cmpi eq, %rem3A_3, %eq3A_4 : vector<4x128xi32>
    %jit3A = arith.constant 0.000000e+00 : f32
    %broadcast_in_dim3A = vector.broadcast %jit3A : f32 to vector<4x128xf32>
    %select_n3A = arith.select %eq3A_5, %get3A_1, %broadcast_in_dim3A : vector<4x128xi1>, vector<4x128xf32>
    %reduce_sum3A = vector.shape_cast %select_n3A : vector<4x128xf32> to vector<1x4x128xf32>
    %reduce_sum3A_6 = arith.constant dense<0.000000e+00> : vector<1xf32>
    %reduce_sum3A_7 = vector.multi_reduction <add>, %reduce_sum3A, %reduce_sum3A_6 [1, 2] : vector<1x4x128xf32> to vector<1xf32>
    %reduce_sum3A_8 = vector.shape_cast %reduce_sum3A_7 : vector<1xf32> to vector<1x1x1xf32>
    %reduce_sum3A_9 = vector.extract %reduce_sum3A_8[0, 0, 0] : f32 from vector<1x1x1xf32>
    %eq3A_10 = arith.constant 1 : i32
    %eq3A_11 = vector.broadcast %eq3A_10 : i32 to vector<4x128xi32>
    %eq3A_12 = arith.cmpi eq, %rem3A_3, %eq3A_11 : vector<4x128xi32>
    %jit3A_13 = arith.constant 0.000000e+00 : f32
    %broadcast_in_dim3A_14 = vector.broadcast %jit3A_13 : f32 to vector<4x128xf32>
    %select_n3A_15 = arith.select %eq3A_12, %get3A_1, %broadcast_in_dim3A_14 : vector<4x128xi1>, vector<4x128xf32>
    %reduce_sum3A_16 = vector.shape_cast %select_n3A_15 : vector<4x128xf32> to vector<1x4x128xf32>
    %reduce_sum3A_17 = arith.constant dense<0.000000e+00> : vector<1xf32>
    %reduce_sum3A_18 = vector.multi_reduction <add>, %reduce_sum3A_16, %reduce_sum3A_17 [1, 2] : vector<1x4x128xf32> to vector<1xf32>
    %reduce_sum3A_19 = vector.shape_cast %reduce_sum3A_18 : vector<1xf32> to vector<1x1x1xf32>
    %reduce_sum3A_20 = vector.extract %reduce_sum3A_19[0, 0, 0] : f32 from vector<1x1x1xf32>
    %max3A = arith.constant 1.000000e+00 : f32
    %max3A_21 = arith.maximumf %reduce_sum3A_20, %max3A : f32
    %div3A = arith.divf %reduce_sum3A_9, %max3A_21 : f32
    %get3A_22 = arith.constant 0 : index
    %get3A_23 = arith.constant 0 : index
    %get3A_24 = vector.load %arg1[%get3A_22, %get3A_23] : memref<1x1xf32, #tpu.memory_space<vmem>>, vector<1x1xf32>
    %reduce_sum3A_25 = vector.shape_cast %get3A_24 : vector<1x1xf32> to vector<1x1x1xf32>
    %reduce_sum3A_26 = arith.constant dense<0.000000e+00> : vector<1xf32>
    %reduce_sum3A_27 = vector.multi_reduction <add>, %reduce_sum3A_25, %reduce_sum3A_26 [1, 2] : vector<1x1x1xf32> to vector<1xf32>
    %reduce_sum3A_28 = vector.shape_cast %reduce_sum3A_27 : vector<1xf32> to vector<1x1x1xf32>
    %reduce_sum3A_29 = vector.extract %reduce_sum3A_28[0, 0, 0] : f32 from vector<1x1x1xf32>
    %mul3A = arith.constant 1.000000e+00 : f32
    %mul3A_30 = arith.mulf %mul3A, %div3A : f32
    %mul3A_31 = arith.constant 3.000000e-01 : f32
    %mul3A_32 = arith.mulf %mul3A_31, %reduce_sum3A_29 : f32
    %add3A = arith.addf %mul3A_30, %mul3A_32 : f32
    %swap3A = arith.constant 0 : index
    %swap3A_33 = arith.constant 0 : index
    %swap3A_34 = memref.load %arg2[%swap3A, %swap3A_33] : memref<1x1xf32, #tpu.memory_space<smem>>
    memref.store %div3A, %arg2[%swap3A, %swap3A_33] : memref<1x1xf32, #tpu.memory_space<smem>>
    %swap3A_35 = arith.constant 0 : index
    %swap3A_36 = arith.constant 0 : index
    %swap3A_37 = memref.load %arg3[%swap3A_35, %swap3A_36] : memref<1x1xf32, #tpu.memory_space<smem>>
    memref.store %reduce_sum3A_29, %arg3[%swap3A_35, %swap3A_36] : memref<1x1xf32, #tpu.memory_space<smem>>
    %swap3A_38 = arith.constant 0 : index
    %swap3A_39 = arith.constant 0 : index
    %swap3A_40 = memref.load %arg4[%swap3A_38, %swap3A_39] : memref<1x1xf32, #tpu.memory_space<smem>>
    memref.store %add3A, %arg4[%swap3A_38, %swap3A_39] : memref<1x1xf32, #tpu.memory_space<smem>>
    return
  }
}

module attributes {stable_mosaic.version = 14 : i64} {
  func.func @_tc_count_body(%arg0: memref<64x8192xf32, #tpu.memory_space<vmem>>, %arg1: memref<64x8192xf32, #tpu.memory_space<vmem>>, %arg2: memref<64x1xf32, #tpu.memory_space<vmem>>, %arg3: memref<64x1xf32, #tpu.memory_space<vmem>>, %arg4: memref<1x1xf32, #tpu.memory_space<smem>>) attributes {dimension_semantics = [], scalar_prefetch = 0 : i64, scratch_operands = 0 : i64, tpu.core_type = #tpu.core_type<tc>} {
    %get3A = arith.constant 0 : index
    %get3A_0 = arith.constant 0 : index
    %get3A_1 = vector.load %arg0[%get3A, %get3A_0] : memref<64x8192xf32, #tpu.memory_space<vmem>>, vector<64x8192xf32>
    %reduce_sum3A = arith.constant dense<0.000000e+00> : vector<64xf32>
    %reduce_sum3A_2 = vector.multi_reduction <add>, %get3A_1, %reduce_sum3A [1] : vector<64x8192xf32> to vector<64xf32>
    %broadcast_in_dim3A = vector.shape_cast %reduce_sum3A_2 : vector<64xf32> to vector<64x1xf32>
    %get3A_3 = arith.constant 0 : index
    %get3A_4 = arith.constant 0 : index
    %get3A_5 = vector.load %arg1[%get3A_3, %get3A_4] : memref<64x8192xf32, #tpu.memory_space<vmem>>, vector<64x8192xf32>
    %reduce_sum3A_6 = arith.constant dense<0.000000e+00> : vector<64xf32>
    %reduce_sum3A_7 = vector.multi_reduction <add>, %get3A_5, %reduce_sum3A_6 [1] : vector<64x8192xf32> to vector<64xf32>
    %broadcast_in_dim3A_8 = vector.shape_cast %reduce_sum3A_7 : vector<64xf32> to vector<64x1xf32>
    %get3A_9 = arith.constant 0 : index
    %get3A_10 = arith.constant 0 : index
    %get3A_11 = vector.load %arg2[%get3A_9, %get3A_10] : memref<64x1xf32, #tpu.memory_space<vmem>>, vector<64x1xf32>
    %sub3A = arith.subf %broadcast_in_dim3A, %get3A_11 : vector<64x1xf32>
    %abs3A = math.absf %sub3A : vector<64x1xf32>
    %reduce_sum3A_12 = vector.shape_cast %abs3A : vector<64x1xf32> to vector<1x64x1xf32>
    %reduce_sum3A_13 = arith.constant dense<0.000000e+00> : vector<1xf32>
    %reduce_sum3A_14 = vector.multi_reduction <add>, %reduce_sum3A_12, %reduce_sum3A_13 [1, 2] : vector<1x64x1xf32> to vector<1xf32>
    %reduce_sum3A_15 = vector.shape_cast %reduce_sum3A_14 : vector<1xf32> to vector<1x1x1xf32>
    %reduce_sum3A_16 = vector.extract %reduce_sum3A_15[0, 0, 0] : f32 from vector<1x1x1xf32>
    %get3A_17 = arith.constant 0 : index
    %get3A_18 = arith.constant 0 : index
    %get3A_19 = vector.load %arg3[%get3A_17, %get3A_18] : memref<64x1xf32, #tpu.memory_space<vmem>>, vector<64x1xf32>
    %sub3A_20 = arith.subf %broadcast_in_dim3A_8, %get3A_19 : vector<64x1xf32>
    %abs3A_21 = math.absf %sub3A_20 : vector<64x1xf32>
    %reduce_sum3A_22 = vector.shape_cast %abs3A_21 : vector<64x1xf32> to vector<1x64x1xf32>
    %reduce_sum3A_23 = arith.constant dense<0.000000e+00> : vector<1xf32>
    %reduce_sum3A_24 = vector.multi_reduction <add>, %reduce_sum3A_22, %reduce_sum3A_23 [1, 2] : vector<1x64x1xf32> to vector<1xf32>
    %reduce_sum3A_25 = vector.shape_cast %reduce_sum3A_24 : vector<1xf32> to vector<1x1x1xf32>
    %reduce_sum3A_26 = vector.extract %reduce_sum3A_25[0, 0, 0] : f32 from vector<1x1x1xf32>
    %add3A = arith.addf %reduce_sum3A_16, %reduce_sum3A_26 : f32
    %mul3A = arith.constant 1.562500e-02 : f32
    %mul3A_27 = arith.mulf %add3A, %mul3A : f32
    %swap3A = arith.constant 0 : index
    %swap3A_28 = arith.constant 0 : index
    %swap3A_29 = memref.load %arg4[%swap3A, %swap3A_28] : memref<1x1xf32, #tpu.memory_space<smem>>
    memref.store %mul3A_27, %arg4[%swap3A, %swap3A_28] : memref<1x1xf32, #tpu.memory_space<smem>>
    return
  }
}

</mosaic_0001>

<sc_bundles>
// kernel: kernel.5.cloned.1.call-start
scs
__scs_entry_jumppad:
0x0: {  	(pc) =	sbr.rel $0x88, $3  }
0x1: {  	(tag) =	ssettag $0x0;
	lr =	simm.s32 $0x1  }
0x2: {  	[smem:$0x3F9C] =	sst lr;
	_ =	strace $0xD0000000  }
0x3: {  	_ = 	snop  }
0x4: {  	_ = 	snop  }
0x5: {  	_ = 	snop  }
0x6: {  	_ = 	snop  }
0x7: {  	_ = 	snop  }
__scs_overlays_trampoline_lowered:
0x8: {  	[smem:$0x3FAB] =	sst s0  }
0x9: {  	[smem:$0x3FAC] =	sst s1  }
0xa: {  	[smem:$0x3FAD] =	sst s2  }
0xb: {  	[smem:$0x3FAE] =	sst s3  }
0xc: {  	[smem:$0x3FAF] =	sst s4  }
0xd: {  	[smem:$0x3FB0] =	sst s5  }
0xe: {  	[smem:$0x3FB1] =	sst s6  }
0xf: {  	[smem:$0x3FB2] =	sst s7  }
0x10: {  	[smem:$0x3FB3] =	sst s8  }
0x11: {  	[smem:$0x3FB4] =	sst s9;
	s0 =	simm.s32 @!p0 $0x0  }
0x12: {  	s1 =	sld [smem:$0x3F9A];
	s0 =	simm.s32 @p0 $0x1  }
0x13: {  	[smem:$0x3FB5] =	sst s0;
	s0 =	simm.s32 @!p1 $0x0  }
0x14: {  	s2 =	sld [smem:$0x3F99];
	s0 =	simm.s32 @p1 $0x1  }
0x15: {  	[smem:$0x3FB6] =	sst s0;
	s0 =	simm.s32 @!p2 $0x0  }
0x16: {  	s3 =	sld [smem:$0x3FDB];
	s0 =	simm.s32 @p2 $0x1  }
0x17: {  	s4 =	simm.s32 $0x1BF5;
	[smem:$0x3FB8] =	sst s0  }
0x18: {  	s0 =	sld [smem:$0x3F9B];
	_ =	swait.ge [sflag:s4], $0x0  }
0x19: {  	s7 =	sld [smem:$0x3F9C]  }
0x1a: {  	s8 =	sadd.s32 $0xFFFFE003, lr  }
0x1b: {  	s9 =	sadd.s32 $0xFFFFFEF7, lr;
	s5 =	simm.s32 $0xFFFFFFFF;
	p2 =	slt.u32 s8, $0xFFFFF086  }
0x1c: {  	p1 =	slt.u32 s9, $0xF7A;
	s5 =	simm.s32 @!p2 $0x0  }
0x1d: {  	s5 =	simm.s32 @p1 $0x1;
	p0 =	seq.s32 s7, s2  }
0x1e: {  	s7 =	smul.u32 @!p0 $0xF7A, s2;
	p2 =	seq.s32 @!p0 s5, $0x0  }
0x1f: {  	s9 =	smul.u32 $0xF7A, s1;
	s8 =	simm.s32 @!p0 $0x1BF5;
	p2 =	por !p2, p0  }
0x20: {  	[sflag:s8] =	ssyncset.s32 @!p0 $0xFFFFF086;
	s6 =	sadd.s32 @!p0 s3, s7;
	s7 =	simm.s32 @!p0 $0x108  }
0x21: {  	s3 =	sadd.s32 s3, s9;
	s6 =	sadd.s32 @!p0 $0x88, s6;
	s7 =	simm.s32 @p2 $0x1082  }
0x22: {  	[simem:s7], [sflag:s8] =	dma.local @!p0 [hbm:s6], $0xF7A  }
0x23: {  	s9 =	sor.u32 $0xD0000000, s2;
	s6 =	simm.s32 $0x108;
	_ =	swait.ge @!p0 [sflag:s8], $0x0  }
0x24: {  	s3 =	sadd.s32 $0x88, s3;
	s6 =	simm.s32 @!p1 $0x1082;
	[sflag:s4] =	ssyncset.s32 $0xFFFFF086  }
0x25: {  	[simem:s6], [sflag:s4] =	dma.local [hbm:s3], $0xF7A  }
0x26: {  	[smem:$0x3F9C] =	sst s1;
	(tag) =	ssettag s2;
	_ =	strace s9  }
0x27: {  	s1 =	sld [smem:$0x3FAC]  }
0x28: {  	s2 =	sld [smem:$0x3FAD]  }
0x29: {  	s4 =	sld [smem:$0x3FAF]  }
0x2a: {  	p0 =	seq.s32 s5, $0x0;
	s5 =	sld [smem:$0x3FB0]  }
0x2b: {  	s6 =	sld [smem:$0x3FB1]  }
0x2c: {  	s7 =	sld [smem:$0x3FB2]  }
0x2d: {  	s3 =	simm.s32 $0x108;
	s8 =	sld [smem:$0x3FB3]  }
0x2e: {  	s3 =	simm.s32 @!p0 $0x1082;
	s9 =	sld [smem:$0x3FB4]  }
0x2f: {  	lr =	sadd.s32 s0, s3;
	s0 =	sld [smem:$0x3FAB]  }
0x30: {  	s3 =	sld [smem:$0x3FAE]  }
0x31: {  	[smem:$0x3FB7] =	sst s10  }
0x32: {  	s10 =	sld [smem:$0x3FB5];
	_ =	sdelay $0x3  }
0x33: {  	p0 =	seq.s32 s10, $0x1;
	s10 =	sld [smem:$0x3FB7];
	_ =	sdelay $0x3  }
0x34: {  	[smem:$0x3FB7] =	sst s10  }
0x35: {  	s10 =	sld [smem:$0x3FB6];
	_ =	sdelay $0x3  }
0x36: {  	p1 =	seq.s32 s10, $0x1;
	s10 =	sld [smem:$0x3FB7];
	_ =	sdelay $0x3  }
0x37: {  	[smem:$0x3FB7] =	sst s10  }
0x38: {  	s10 =	sld [smem:$0x3FB8]  }
0x39: {  	_ = 	snop;
	(pc) =	sbr.ind lr, $3  }
0x3a: {  	_ = 	snop  }
0x3b: {  	_ = 	snop  }
0x3c: {  	p2 =	seq.s32 s10, $0x1;
	s10 =	sld [smem:$0x3FB7]  }
0x3d: {  	_ =	shalt  }
0x3e: {  	_ =	shalt  }
0x3f: {  	_ =	shalt  }
0x40: {  	_ =	shalt  }
0x41: {  	_ =	shalt  }
0x42: {  	_ =	shalt  }
0x43: {  	_ =	shalt  }
0x44: {  	_ =	shalt  }
0x45: {  	_ =	shalt  }
0x46: {  	_ =	shalt  }
0x47: {  	_ =	shalt  }
0x48: {  	_ =	shalt  }
0x49: {  	_ =	shalt  }
0x4a: {  	_ =	shalt  }
0x4b: {  	_ =	shalt  }
0x4c: {  	_ =	shalt  }
0x4d: {  	_ =	shalt  }
0x4e: {  	_ =	shalt  }
0x4f: {  	_ =	shalt  }
0x50: {  	_ =	shalt  }
0x51: {  	_ =	shalt  }
0x52: {  	_ =	shalt  }
0x53: {  	_ =	shalt  }
0x54: {  	_ =	shalt  }
0x55: {  	_ =	shalt  }
0x56: {  	_ =	shalt  }
0x57: {  	_ =	shalt  }
0x58: {  	_ =	shalt  }
0x59: {  	_ =	shalt  }
0x5a: {  	_ =	shalt  }
0x5b: {  	_ =	shalt  }
0x5c: {  	_ =	shalt  }
0x5d: {  	_ =	shalt  }
0x5e: {  	_ =	shalt  }
0x5f: {  	_ =	shalt  }
0x60: {  	_ =	shalt  }
0x61: {  	_ =	shalt  }
0x62: {  	_ =	shalt  }
0x63: {  	_ =	shalt  }
0x64: {  	_ =	shalt  }
0x65: {  	_ =	shalt  }
0x66: {  	_ =	shalt  }
0x67: {  	_ =	shalt  }
0x68: {  	_ =	shalt  }
0x69: {  	_ =	shalt  }
0x6a: {  	_ =	shalt  }
0x6b: {  	_ =	shalt  }
0x6c: {  	_ =	shalt  }
0x6d: {  	_ =	shalt  }
0x6e: {  	_ =	shalt  }
0x6f: {  	_ =	shalt  }
0x70: {  	_ =	shalt  }
0x71: {  	_ =	shalt  }
0x72: {  	_ =	shalt  }
0x73: {  	_ =	shalt  }
0x74: {  	_ =	shalt  }
0x75: {  	_ =	shalt  }
0x76: {  	_ =	shalt  }
0x77: {  	_ =	shalt  }
0x78: {  	_ =	shalt  }
0x79: {  	_ =	shalt  }
0x7a: {  	_ =	shalt  }
0x7b: {  	_ =	shalt  }
0x7c: {  	_ =	shalt  }
0x7d: {  	_ =	shalt  }
0x7e: {  	_ =	shalt  }
0x7f: {  	_ =	shalt  }
0x80: {  	_ =	shalt  }
0x81: {  	_ =	shalt  }
0x82: {  	_ =	shalt  }
0x83: {  	_ =	shalt  }
0x84: {  	_ =	shalt  }
0x85: {  	_ =	shalt  }
0x86: {  	_ =	shalt  }
0x87: {  	_ =	shalt  }
.Lfunc_end0:
.L_simem_size_0:
called_computation_lowered:
.L_overlay_start_0:
0x88: {  	s2 =	sld [smem:$0x3FD9]  }
0x89: {  	s3 =	sld [smem:$0x3FFE];
	_ =	sdelay $0x1  }
0x8a: {  	s1 =	srdreg.scid  }
0x8b: {  	s0 =	sand.u32 $0x1, s1  }
0x8c: {  	s17 =	sshll.u32 s0, $0xA;
	s2 =	sadd.s32 s3, s2  }
0x8d: {  	s2 =	sadd.s32 s2, s17  }
0x8e: {  	[smem:$0x3FC3] =	sst s2  }
0x8f: {  	_ = 	snop  }
0x90: {  	s2 =	sld [smem:$0x3FC9]  }
0x91: {  	s18 =	sld [smem:$0x3FC8];
	(tm) =	ssettm $0x1  }
0x92: {  	s4 =	sld [smem:$0x3FFB];
	_ =	sdelay $0x3  }
0x93: {  	_ =	strace s4  }
0x94: {  	s4 =	sld [smem:$0x3FFC];
	_ =	sdelay $0x3  }
0x95: {  	_ =	strace s4  }
0x96: {  	s4 =	sld [smem:$0x3FFD];
	_ =	sdelay $0x3  }
0x97: {  	_ =	strace s4  }
0x98: {  	_ =	strace $0x8FFFFFFF  }
0x99: {  	s19 =	sld [smem:$0x3FDB];
	_ =	sdelay $0x1  }
0x9a: {  	s5 =	simm.s32 $_scs_section_size  }
0x9b: {  	s6 =	simm.s32 $_size__tile_overlayer_lowered;
	s7 =	simm.s32 $_tile_overlayer_lowered  }
0x9c: {  	s22 =	simm.s32 $0x1BFF;
	s21 =	sshll.u32 s7, $0x1;
	s4 =	sadd.s32 s5, s19  }
0x9d: {  	s8 =	simm.s32 $0x0;
	s20 =	sshll.u32 s6, $0x1;
	s6 =	sadd.s32 s21, s4  }
0x9e: {  	[timem:s8], [sflag:s22] =	dma.local [hbm:s6], s20  }
0x9f: {  	_ =	swait.ge [sflag:s22], s20  }
0xa0: {  	s5 =	ssub.s32 $0x0, s20;
	[sflag:s22] =	ssyncset.done $0x0  }
0xa1: {  	[sflag:s22] =	ssyncadd.s32 s5;
	_ =	sdelay $0x1  }
0xa2: {  	s23 =	simm.s32 $0x1B8B  }
0xa3: {  	_ =	swait.ge [sflag:s23], $0x1  }
0xa4: {  	[sflag:s23] =	ssyncset.done $0x0  }
0xa5: {  	s25 =	simm.s32 $0x1B8E;
	s24 =	sld [smem:$0x3FFE];
	[sflag:s23] =	ssyncadd.s32 $0xFFFFFFFF  }
0xa6: {  	s26 =	simm.s32 $execute0_lowered;
	[smem:$0x3FD2] =	sst s25  }
0xa7: {  	s6 =	sshll.u32 s26, $0x1;
	_ =	strace $0x80000046;
	[dreg:$0x1] =	wrdreg $0xFFFFFFFF  }
0xa8: {  	s28 =	simm.s32 $_size_execute0_lowered;
	s4 =	sadd.s32 s4, s6;
	[dreg:$0x0] =	wrdreg $0x0  }
0xa9: {  	s6 =	sshll.u32 s28, $0x1;
	[dreg:$0x2] =	wrdreg s4  }
0xaa: {  	[dreg:$0x3] =	wrdreg s6  }
0xab: {  	[dreg:$0x4] =	wrdreg $0xC0  }
0xac: {  	_ =	task [dreg:s8], $0x5FFFF  }
0xad: {  	[dreg:$0x1] =	wrdreg $0xFFFFFFFF  }
0xae: {  	[dreg:$0x0] =	wrdreg $0x60  }
0xaf: {  	[dreg:$0x2] =	wrdreg s2  }
0xb0: {  	[dreg:$0x3] =	wrdreg s18  }
0xb1: {  	[dreg:$0x4] =	wrdreg s24  }
0xb2: {  	[dreg:$0x5] =	wrdreg $0x9  }
0xb3: {  	_ =	task.clear_ibuf [dreg:s8], $0x6FFFF;
	_ =	strace $0x90000046  }
0xb4: {  	s29 =	simm.s32 $0x9;
	_ =	strace $0x80000048  }
0xb5: {  	_ =	swait.ge [sflag:s29], $0x1  }
0xb6: {  	[sflag:s29] =	ssyncadd.s32 $0xFFFFFFFF  }
0xb7: {  	_ =	strace $0x90000048  }
0xb8: {  	_ =	sfence  }
0xb9: {  	s30 =	sld [smem:$0x0];
	_ =	sdelay $0x2  }
0xba: {  	s31 =	sshll.u32 s1, $0xD;
	s1 =	sshrl.u32 s1, $0x2  }
0xbb: {  	s3 =	sand.u32 $0x4000, s31;
	s1 =	sadd.s32 s1, s30  }
0xbc: {  	s0 =	sor.u32 s3, s0;
	s1 =	sshll.u32 s1, $0x11  }
0xbd: {  	s0 =	sor.u32 s1, s0  }
0xbe: {  	s0 =	sadd.s32 $0x8F2B, s0  }
0xbf: {  	[sflag:s0] =	ssyncadd.remote.s32 $0x1  }
0xc0: {  	_ =	sfence.sel $0xFFFF  }
0xc1: {  	[dreg:$0x0] =	wrdreg $0xFFFFFFFF;
	(pc) =	sbr.abs _section_cstart, $3  }
0xc2: {  	[dreg:$0x1] =	wrdreg $0xFFFFFFFF  }
0xc3: {  	_ =	task.clear_ibuf [dreg:s8], $0x2FFFF;
	_ =	strace $0x9FFFFFFF  }
0xc4: {  	(tm) =	ssettm $0x7FFFFFFF  }
0xc5: {  	_ =	shalt  }
tec
execute0_lowered:
.L_overlay_start_1:
0x0: {  	(tag) =	ssettag $0x1  }
0x1: {  	s7 =	rddreg [dreg:$0x0]  }
0x2: {  	s8 =	rddreg [dreg:$0x1]  }
0x3: {  	s3 =	rddreg [dreg:$0x2];
	s4 =	srdreg.scid  }
0x4: {  	s0 =	stileid.u32;
	s2 =	simm.s32 $0x0;
	s17 =	simm.s32 $0x8400  }
0x5: {  	s18 =	simm.s32 $0x2000;
	s19 =	simm.s32 $0x6000;
	s20 =	simm.s32 $0x8200  }
0x6: {  	s21 =	simm.s32 $0x8500;
	s22 =	simm.s32 $0x1;
	s23 =	simm.s32 $0x2  }
0x7: {  	s24 =	simm.s32 $0x8600;
	s25 =	simm.s32 $0x3;
	s26 =	simm.s32 $0x0  }
0x8: {  	s4 =	sand.u32 $0x1, s4;
	s5 =	sshll.u32 s0, $0x1;
	[smem:$0x7FF] =	sst s2  }
0x9: {  	s6 =	sshrl.u32 s0, $0x1;
	s10 =	sadd.s32 $0x1000, s3;
	s12 =	sadd.s32 $0x2000, s3  }
0xa: {  	s5 =	sor.u32 s4, s5;
	_ =	strace $0x80000047;
	s11 =	sshll.u32 s6, $0x10  }
0xb: {  	s4 =	ssub.s32 $0x2, s4;
	s28 =	sshll.u32 s6, $0xC;
	s16 =	sshll.u32 s6, $0xB  }
0xc: {  	s9 =	sshll.u32 s5, $0x8;
	s5 =	sshll.u32 s5, $0x1;
	s14 =	sshrl.u32 s4, $0x1  }
0xd: {  	s9 =	sand.u32 $0x300, s9;
	s15 =	sadd.s32 s5, s3;
	s14 =	ssub.s32 s4, s14  }
0xe: {  	s13 =	sor.u32 s11, s9;
	s29 =	sor.u32 s28, s9;
	s6 =	sor.u32 s16, s9  }
0xf: {  	s9 =	sor.u32 $0x80, s9;
	s13 =	sshrl.u32 s13, $0x3;
	s5 =	sshrl.u32 s29, $0x3  }
0x10: {  	s6 =	sshrl.u32 s6, $0x3;
	s11 =	sor.u32 s11, s9;
	s3 =	sadd.s32 s7, s13  }
0x11: {  	s4 =	sadd.s32 s8, s13;
	s5 =	sadd.s32 s10, s5;
	s6 =	sadd.s32 s12, s6  }
0x12: {  	s11 =	sshrl.u32 s11, $0x3;
	s13 =	sor.u32 s28, s9;
	s9 =	sor.u32 s16, s9  }
0x13: {  	s16 =	simm.s32 $0x8000;
	s7 =	sadd.s32 s7, s11;
	s8 =	sadd.s32 s8, s11  }
0x14: {  	s30 =	sshrl.u32 s13, $0x3;
	s31 =	sshrl.u32 s9, $0x3;
	s11 =	sadd.s32 $0x2800, s15  }
0x15: {  	v0 =	vlaneseq.u32;
	v1 =	vimm.f32 $0.0e+00;
	s13 =	simm.s32 $0x80;
	s15 =	simm.s32 $0x4000;
	s9 =	sadd.s32 s10, s30  }
0x16: {  	v2 =	vimm.s32 $0x0;
	vm0 =	vcmask $0x308;
	v0 =	vmul.u32 $0x2, v0;
	s10 =	sadd.s32 s12, s31;
	s12 =	smax.u32 s14, $0x1;
	s14 =	simm.s32 $0x400  }
.LBB2_1:
0x17: {  	[tilespmem:s2], [sflag:$0x1] =	stream.strided.gather [hbm4b:s3+s13], $0x2000, s14, s13, $0x38;
	[tilespmem:$0x8680] =	vst v63  }
0x18: {  	_ = 	snop  }
0x19: {  	[tilespmem:s15], [sflag:$0x1] =	stream.strided.gather [hbm4b:s4+s13], $0x2000, s14, s13, $0x38;
	[tilespmem:$0x8680] =	vst v63  }
0x1a: {  	_ = 	snop  }
0x1b: {  	[tilespmem:s16], [sflag:$0x1] =	stream.strided.gather [hbm4b:s5+s13], $0x200, s14, s13, $0x38;
	[tilespmem:$0x8680] =	vst v63  }
0x1c: {  	_ = 	snop  }
0x1d: {  	[tilespmem:s17], [sflag:$0x1] =	stream.strided.gather [hbm4b:s6+s13], $0x100, s14, s13, $0x38;
	[tilespmem:$0x8680] =	vst v63  }
0x1e: {  	_ = 	snop  }
0x1f: {  	[tilespmem:s18], [sflag:$0x2] =	stream.strided.gather [hbm4b:s7+s13], $0x2000, s14, s13, $0x38;
	[tilespmem:$0x8680] =	vst v63  }
0x20: {  	_ = 	snop  }
0x21: {  	[tilespmem:s19], [sflag:$0x2] =	stream.strided.gather [hbm4b:s8+s13], $0x2000, s14, s13, $0x38;
	[tilespmem:$0x8680] =	vst v63  }
0x22: {  	_ = 	snop  }
0x23: {  	[tilespmem:s20], [sflag:$0x2] =	stream.strided.gather [hbm4b:s9+s13], $0x200, s14, s13, $0x38;
	[tilespmem:$0x8680] =	vst v63  }
0x24: {  	_ = 	snop  }
0x25: {  	[tilespmem:s21], [sflag:$0x2] =	stream.strided.gather [hbm4b:s10+s13], $0x100, s14, s13, $0x38;
	[tilespmem:$0x8680] =	vst v63  }
0x26: {  	_ =	swait.ge [sflag:s22], $0x2000  }
0x27: {  	[sflag:s22] =	ssyncset.done $0x0  }
0x28: {  	[sflag:s22] =	ssyncadd.s32 $0xFFFFE000  }
0x29: {  	_ =	swait.ge [sflag:s22], $0x2000  }
0x2a: {  	[sflag:s22] =	ssyncset.done $0x0  }
0x2b: {  	s28 =	simm.s32 $0xFFFFFFFF;
	v4 =	vmov s2;
	[sflag:s22] =	ssyncadd.s32 $0xFFFFE000  }
0x2c: {  	v3 =	vmov s28;
	v4 =	vshll.u32 v4, $0x1;
	_ =	swait.ge [sflag:s22], $0x200  }
0x2d: {  	v3 =	vshll.u32 v3, $0x1;
	v4 =	vor.u32 v0, v4;
	[sflag:s22] =	ssyncset.done $0x0  }
0x2e: {  	s29 =	simm.s32 $0xF;
	v3 =	vadd.s32 v0, v3;
	v5 =	vor.u32 $0x1, v4;
	[sflag:s22] =	ssyncadd.s32 $0xFFFFFE00  }
0x2f: {  	s28 =	simm.s32 $0x10;
	v6 =	vmov s29;
	v3 =	vand.u32 $0x1FE, v3;
	_ =	swait.ge [sflag:s22], $0x100  }
0x30: {  	v7 =	vmov s28;
	v6 =	vshll.u32 v6, $0x1;
	v3 =	vor.u32 $0x1, v3;
	[sflag:s22] =	ssyncset.done $0x0  }
0x31: {  	v7 =	vshll.u32 v7, $0x1;
	v6 =	vadd.s32 v0, v6;
	[sflag:s22] =	ssyncadd.s32 $0xFFFFFF00  }
0x32: {  	v7 =	vor.u32 v0, v7;
	v6 =	vand.u32 $0x1FE, v6;
	v4 =	vld.idx.msk [tilespmem:v4+s16+$0x0], $0xffff  }
0x33: {  	s28 =	simm.s32 $0x8410;
	v6 =	vor.u32 $0x1, v6;
	v5 =	vld.idx.msk [tilespmem:v5+s16+$0x0], $0xffff  }
0x34: {  	v8 =	vor.u32 $0x1, v7;
	v9 =	vld [tilespmem:s28+$0xFFFFFFF0]  }
0x35: {  	v3 =	vld.idx.msk [tilespmem:v3+s16+$0x0], $0xffff  }
0x36: {  	v10 =	vld [tilespmem:s28+$0x0]  }
0x37: {  	v7 =	vld.idx.msk [tilespmem:v7+s16+$0x0], $0xffff  }
0x38: {  	v6 =	vld.idx.msk [tilespmem:v6+s16+$0x0], $0xffff;
	vm1 =	vgt.s32 v4, $0x0  }
0x39: {  	v8 =	vld.idx.msk [tilespmem:v8+s16+$0x0], $0xffff;
	v9 =	vadd.s32 v5, v9;
	vm2 =	vgt.s32 v5, $0x0;
	v11 =	vnsel vm1, $0x0, v4  }
0x3a: {  	vm1 =	vgt.s32 v3, $0x0;
	v12 =	vnsel vm2, $0x0, v5;
	v11 =	vmin.u32 v11, $0x1FFF  }
0x3b: {  	v3 =	vnsel vm1, $0x0, v3;
	vm1 =	vgt.s32 v9, $0x0;
	v12 =	vmin.u32 v12, $0x1FFF  }
0x3c: {  	v3 =	vmin.u32 v3, $0x1FFF;
	v9 =	vnsel vm1, $0x0, v9;
	vm1 =	vgt.s32 v7, $0x0  }
0x3d: {  	v9 =	vmin.u32 v9, $0x1FFF;
	v14 =	vnsel vm1, $0x0, v7;
	vm1 =	vgt.s32 v6, $0x0  }
0x3e: {  	v10 =	vadd.s32 v8, v10;
	v6 =	vnsel vm1, $0x0, v6;
	v14 =	vmin.u32 v14, $0x1FFF  }
0x3f: {  	vm1 =	vgt.s32 v10, $0x0;
	v6 =	vmin.u32 v6, $0x1FFF;
	v11 =	vld.idx.msk [tilespmem:v11+s2+$0x0], $0xffff  }
0x40: {  	v13 =	vadd.s32 $0x4, v4;
	v10 =	vnsel vm1, $0x0, v10;
	vm1 =	vgt.s32 v8, $0x0;
	v12 =	vld.idx.msk [tilespmem:v12+s15+$0x0], $0xffff  }
0x41: {  	vm3 =	vlt.u32 v4, $0x2000;
	v10 =	vmin.u32 v10, $0x1FFF;
	v16 =	vnsel vm1, $0x0, v8;
	v3 =	vld.idx.msk [tilespmem:v3+s15+$0x0], $0xffff  }
0x42: {  	vm5 =	vlt.s32 v5, $0x2000;
	vm6 =	vlt.s32 v4, v5;
	v4 =	vmin.u32 v16, $0x1FFF;
	v15 =	vld.idx.msk [tilespmem:v9+s15+$0x0], $0xffff  }
0x43: {  	vm4 =	vlt.u32 v7, $0x2000;
	v17 =	vadd.s32 $0x4, v7;
	vm6 =	vmand vm5, vm6;
	v5 =	vld.idx.msk [tilespmem:v14+s2+$0x0], $0xffff  }
0x44: {  	vm7 =	vlt.s32 v8, $0x2000;
	vm3 =	vmand vm6, vm3;
	vm2 =	vgt.s32 v9, v13;
	v6 =	vld.idx.msk [tilespmem:v6+s15+$0x0], $0xffff  }
0x45: {  	vm2 =	vmand vm3, vm2;
	vm1 =	vlt.s32 v7, v8;
	v8 =	vmul.f32 v12, v11  }
0x46: {  	vm1 =	vmand vm7, vm1;
	vm14 =	vgt.s32 v10, v17;
	v9 =	vld.idx.msk [tilespmem:v10+s15+$0x0], $0xffff;
	v3 =	vmul.f32 v3, v11  }
0x47: {  	vm4 =	vmand vm1, vm4;
	v4 =	vld.idx.msk [tilespmem:v4+s15+$0x0], $0xffff;
	v7 =	vmul.f32 v15, v11;
	v8 =	vmax.f32 v8, $9.999999970e-07  }
0x48: {  	vm1 =	vmand vm4, vm14;
	v3 =	vmax.f32 v3, $9.999999970e-07;
	v8 =	vmin.f32 v8, $9.999989860e-01  }
0x49: {  	v3 =	vmin.f32 v3, $9.999989860e-01;
	v7 =	vmax.f32 v7, $9.999999970e-07;
	v6 =	vmul.f32 v6, v5  }
0x4a: {  	v11 =	vshra.s32 v8, $0x17;
	v8 =	vand.u32 $0x7FFFFF, v8;
	v3 =	vsub.f32 $1.000000000e+00, v3  }
0x4b: {  	v7 =	vmin.f32 v7, $9.999989860e-01;
	v9 =	vmul.f32 v9, v5;
	v8 =	vor.u32 $0x3F800000, v8  }
0x4c: {  	v7 =	vsub.f32 $1.000000000e+00, v7;
	v4 =	vmul.f32 v4, v5;
	v5 =	vmul.f32 $5.000000000e-01, v8  }
0x4d: {  	vm8 =	vgt.f32 v8, $1.414213540e+00;
	v6 =	vmax.f32 v6, $9.999999970e-07;
	v10 =	vand.u32 $0x7FFFFF, v3  }
0x4e: {  	v3 =	vshra.s32 v3, $0x17;
	v9 =	vmax.f32 v9, $9.999999970e-07;
	v6 =	vmin.f32 v6, $9.999989860e-01  }
0x4f: {  	v10 =	vor.u32 $0x3F800000, v10;
	v4 =	vmax.f32 v4, $9.999999970e-07;
	v5 =	vsel vm8, v5, v8  }
0x50: {  	v9 =	vmin.f32 v9, $9.999989860e-01;
	v6 =	vsub.f32 $1.000000000e+00, v6;
	v12 =	vmul.f32 $5.000000000e-01, v10  }
0x51: {  	vm15 =	vgt.f32 v10, $1.414213540e+00;
	v4 =	vmin.f32 v4, $9.999989860e-01;
	v13 =	vadd.f32 $1.000000000e+00, v5  }
0x52: {  	v5 =	vadd.f32 $-1.000000000e+00, v5;
	v14 =	vsel vm15, $0x1, v2;
	v10 =	vsel vm15, v12, v10  }
0x53: {  	v15 =	vshra.s32 v4, $0x17;
	v4 =	vand.u32 $0x7FFFFF, v4;
	v8 =	vadd.f32 $1.000000000e+00, v10  }
0x54: {  	v16 =	vand.u32 $0x7FFFFF, v6;
	v6 =	vshra.s32 v6, $0x17;
	v4 =	vor.u32 $0x3F800000, v4  }
0x55: {  	v16 =	vor.u32 $0x3F800000, v16;
	v3 =	vadd.s32 v14, v3;
	(erf) = vrcp.f32 v8  }
0x56: {  	v12 =	vadd.f32 $-1.000000000e+00, v10;
	v10 =	vand.u32 $0x7FFFFF, v7;
	(erf) = vrcp.f32 v13  }
0x57: {  	v7 =	vshra.s32 v7, $0x17;
	vm14 =	vgt.f32 v4, $1.414213540e+00;
	vm15 =	vgt.f32 v16, $1.414213540e+00  }
0x58: {  	v3 =	vadd.s32 $0xFFFFFF81, v3;
	v10 =	vor.u32 $0x3F800000, v10;
	v21 =	vsel vm14, $0x1, v2  }
0x59: {  	v8 =	vsub.f32 $1.000000000e+00, v9;
	vm13 =	vgt.f32 v10, $1.414213540e+00;
	v15 =	vadd.s32 v21, v15  }
0x5a: {  	v3 =	vcvt.s32.f32 v3;
	v19 =	vsel vm13, $0x1, v2;
	v15 =	vadd.s32 $0xFFFFFF81, v15  }
0x5b: {  	v13 =	vand.u32 $0x7FFFFF, v8;
	v17 =	vshra.s32 v8, $0x17;
	v8 =	vmul.f32 $5.000000000e-01, v10  }
0x5c: {  	v3 =	vmul.f32 $6.931471820e-01, v3;
	v7 =	vadd.s32 v19, v7;
	v15 =	vcvt.s32.f32 v15  }
0x5d: {  	v13 =	vor.u32 $0x3F800000, v13;
	v8 =	vsel vm13, v8, v10;
	v10 =	vmul.f32 $5.000000000e-01, v4  }
0x5e: {  	v7 =	vadd.s32 $0xFFFFFF81, v7;
	v19 =	vmul.f32 $5.000000000e-01, v13;
	v14 =	vadd.f32 $1.000000000e+00, v8;
	v18 =	vpop (erf)  }
0x5f: {  	v7 =	vcvt.s32.f32 v7;
	v10 =	vsel vm14, v10, v4;
	v12 =	vmul.f32 v18, v12;
	v4 =	vpop (erf)  }
0x60: {  	v9 =	vsel vm8, $0x1, v2;
	(erf) = vrcp.f32 v14;
	v4 =	vmul.f32 v4, v5  }
0x61: {  	vm12 =	vgt.f32 v13, $1.414213540e+00;
	v5 =	vmul.f32 $5.000000000e-01, v16;
	v20 =	vmul.f32 v12, v12  }
0x62: {  	v8 =	vadd.f32 $-1.000000000e+00, v8;
	v13 =	vsel vm12, v19, v13;
	v18 =	vadd.f32 $1.000000000e+00, v10  }
0x63: {  	v5 =	vsel vm15, v5, v16;
	v14 =	vmul.f32 v4, v4;
	v21 =	vmul.f32 $1.428571490e-01, v20  }
0x64: {  	v22 =	vadd.f32 v4, v4;
	v4 =	vadd.s32 v9, v11;
	v16 =	vadd.f32 $1.000000000e+00, v5  }
0x65: {  	v4 =	vadd.s32 $0xFFFFFF81, v4;
	v9 =	vmul.f32 $1.428571490e-01, v14;
	v11 =	vadd.f32 $2.000000030e-01, v21  }
0x66: {  	v4 =	vcvt.s32.f32 v4;
	(erf) = vrcp.f32 v16;
	v16 =	vsel vm15, $0x1, v2  }
0x67: {  	v12 =	vadd.f32 v12, v12;
	v9 =	vadd.f32 $2.000000030e-01, v9;
	v11 =	vmul.f32 v11, v20  }
0x68: {  	v5 =	vadd.f32 $-1.000000000e+00, v5;
	v6 =	vadd.s32 v16, v6;
	v19 =	vmul.f32 $6.931471820e-01, v4  }
0x69: {  	v4 =	vsel vm3, $0x3F800000, v1;
	v16 =	vpop (erf);
	v9 =	vmul.f32 v9, v14;
	v11 =	vadd.f32 $3.333333430e-01, v11  }
0x6a: {  	(erf) = vrcp.f32 v18;
	v18 =	vadd.f32 $1.000000000e+00, v13;
	v16 =	vmul.f32 v16, v8  }
0x6b: {  	v6 =	vadd.s32 $0xFFFFFF81, v6;
	v9 =	vadd.f32 $3.333333430e-01, v9;
	v11 =	vmul.f32 v11, v20  }
0x6c: {  	(erf) = vrcp.f32 v18;
	v18 =	vsel vm12, $0x1, v2;
	v23 =	vmul.f32 v16, v16  }
0x6d: {  	v8 =	vsel vm4, $0x3F800000, v1;
	v9 =	vmul.f32 v9, v14;
	v14 =	vadd.f32 $1.000000000e+00, v11  }
0x6e: {  	v20 =	vmul.f32 $1.428571490e-01, v23;
	v11 =	vcvt.s32.f32 v6;
	v6 =	vadd.s32 v18, v17  }
0x6f: {  	v18 =	vadd.f32 $-1.000000000e+00, v10;
	v21 =	vpop (erf);
	v9 =	vadd.f32 $1.000000000e+00, v9;
	v6 =	vadd.s32 $0xFFFFFF81, v6  }
0x70: {  	v12 =	vmul.f32 v14, v12;
	v5 =	vmul.f32 v21, v5;
	v14 =	vadd.f32 $2.000000030e-01, v20  }
0x71: {  	v21 =	vadd.f32 $-1.000000000e+00, v13;
	v20 =	vcvt.s32.f32 v6;
	v9 =	vmul.f32 v9, v22  }
0x72: {  	v10 =	vadd.f32 v12, v3;
	v17 =	vmul.f32 v5, v5;
	v3 =	vmul.f32 v14, v23  }
0x73: {  	v6 =	vimm.f32 $0.0e+00;
	v12 =	vadd.f32 v5, v5;
	v5 =	vadd.f32 v9, v19  }
0x74: {  	v19 =	vmul.f32 $6.931471820e-01, v7;
	v14 =	vpop (erf);
	v9 =	vmul.f32 $1.428571490e-01, v17;
	v3 =	vadd.f32 $3.333333430e-01, v3  }
0x75: {  	v7 =	vimm.f32 $0.0e+00;
	v18 =	vmul.f32 v14, v18;
	v13 =	vmul.f32 v5, v4  }
0x76: {  	v5 =	vimm.f32 $0.0e+00;
	v22 =	vadd.f32 $2.000000030e-01, v9;
	v23 =	vmul.f32 v3, v23  }
0x77: {  	s30 =	simm.s32 $0x20;
	s28 =	simm.s32 $0x8430;
	v24 =	vpop (erf);
	v9 =	vadd.f32 v4, v1;
	v3 =	vimm.f32 $0.0e+00;
	v14 =	vmul.f32 v18, v18  }
.LBB2_2:
0x78: {  	s31 =	sadd.s32 $0xFFFFFFFF, s30  }
0x79: {  	v25 =	vmov s30;
	s0 =	sadd.s32 $0x10, s30;
	v26 =	vadd.f32 v16, v16;
	v27 =	vmul.f32 $1.428571490e-01, v14;
	s1 =	smov.u32 s30;
	s29 =	sadd.s32 $0x20, s30  }
0x7a: {  	p0 =	slt.u32 s30, $0xE0;
	v21 =	vmul.f32 v24, v21;
	v16 =	vshll.u32 v25, $0x1;
	v25 =	vmov s31;
	s1 =	sadd.s32 $0xF, s1  }
0x7b: {  	v23 =	vadd.f32 $1.000000000e+00, v23;
	v24 =	vor.u32 v0, v16;
	v16 =	vshll.u32 v25, $0x1  }
0x7c: {  	v28 =	vmov s1;
	v25 =	vadd.s32 v0, v16;
	v16 =	vmul.f32 $6.931471820e-01, v20  }
0x7d: {  	v22 =	vmul.f32 v22, v17;
	v20 =	vand.u32 $0x1FE, v25;
	v25 =	vmov s0  }
0x7e: {  	v27 =	vadd.f32 $2.000000030e-01, v27;
	v29 =	vor.u32 $0x1, v24;
	v20 =	vor.u32 $0x1, v20  }
0x7f: {  	v30 =	vadd.f32 v21, v21;
	v28 =	vshll.u32 v28, $0x1;
	v25 =	vshll.u32 v25, $0x1  }
0x80: {  	v23 =	vmul.f32 v23, v26;
	v28 =	vadd.s32 v0, v28;
	v25 =	vor.u32 v0, v25;
	v24 =	vld.idx.msk [tilespmem:v24+s16+$0x0], $0xffff  }
0x81: {  	v22 =	vadd.f32 $3.333333430e-01, v22;
	v28 =	vand.u32 $0x1FE, v28;
	v26 =	vor.u32 $0x1, v25  }
0x82: {  	v32 =	vsel vm2, $0x3F800000, v1;
	v19 =	vadd.f32 v23, v19;
	v28 =	vor.u32 $0x1, v28;
	v31 =	vld [tilespmem:s28+$0x0]  }
0x83: {  	v18 =	vadd.f32 v18, v18;
	v15 =	vmul.f32 $6.931471820e-01, v15;
	v17 =	vmul.f32 v22, v17;
	v20 =	vld.idx.msk [tilespmem:v20+s16+$0x0], $0xffff  }
0x84: {  	v9 =	vadd.f32 v8, v9;
	v21 =	vmul.f32 v21, v21;
	v19 =	vmul.f32 v19, v32;
	v22 =	vld.idx.msk [tilespmem:v29+s16+$0x0], $0xffff  }
0x85: {  	v11 =	vmul.f32 $6.931471820e-01, v11;
	v3 =	vadd.f32 v32, v3;
	v23 =	vld.idx.msk [tilespmem:v25+s16+$0x0], $0xffff;
	v25 =	vmul.f32 v27, v14  }
0x86: {  	v17 =	vadd.f32 $1.000000000e+00, v17;
	vm2 =	vgt.s32 v24, $0x0;
	v27 =	vsel vm1, $0x3F800000, v1;
	v26 =	vld.idx.msk [tilespmem:v26+s16+$0x0], $0xffff  }
0x87: {  	v33 =	vadd.s32 $0x4, v24;
	v32 =	vnsel vm2, $0x0, v24;
	v3 =	vadd.f32 v27, v3;
	v29 =	vld [tilespmem:s28+$0xFFFFFFF0]  }
0x88: {  	v7 =	vsub.f32 v7, v13;
	vm2 =	vlt.u32 v24, $0x2000;
	v32 =	vmin.u32 v32, $0x1FFF  }
0x89: {  	v25 =	vadd.f32 $3.333333430e-01, v25;
	vm1 =	vgt.s32 v20, $0x0;
	v13 =	vld.idx.msk [tilespmem:v28+s16+$0x0], $0xffff;
	v28 =	vmul.f32 $1.428571490e-01, v21  }
0x8a: {  	v12 =	vmul.f32 v17, v12;
	vm5 =	vlt.s32 v22, $0x2000;
	v20 =	vnsel vm1, $0x0, v20  }
0x8b: {  	v17 =	vmin.u32 v20, $0x1FFF;
	vm1 =	vgt.s32 v23, $0x0;
	v20 =	vadd.f32 $2.000000030e-01, v28  }
0x8c: {  	v14 =	vmul.f32 v25, v14;
	v28 =	vadd.s32 v22, v29;
	v29 =	vnsel vm1, $0x0, v23  }
0x8d: {  	vm1 =	vgt.s32 v22, $0x0;
	vm3 =	vgt.s32 v28, $0x0;
	v20 =	vmul.f32 v20, v21  }
0x8e: {  	v25 =	vnsel vm1, $0x0, v22;
	vm1 =	vlt.u32 v23, $0x2000;
	v32 =	vld.idx.msk [tilespmem:v32+s2+$0x0], $0xffff;
	v28 =	vnsel vm3, $0x0, v28  }
0x8f: {  	v34 =	vadd.s32 $0x4, v23;
	v25 =	vmin.u32 v25, $0x1FFF;
	v28 =	vmin.u32 v28, $0x1FFF  }
0x90: {  	vm6 =	vlt.s32 v24, v22;
	v22 =	vadd.s32 v26, v31;
	vm3 =	vgt.s32 v13, $0x0  }
0x91: {  	vm4 =	vgt.s32 v26, $0x0;
	v13 =	vnsel vm3, $0x0, v13;
	v20 =	vadd.f32 $3.333333430e-01, v20  }
0x92: {  	v14 =	vadd.f32 $1.000000000e+00, v14;
	v24 =	vmin.u32 v29, $0x1FFF;
	v13 =	vmin.u32 v13, $0x1FFF;
	v17 =	vld.idx.msk [tilespmem:v17+s15+$0x0], $0xffff  }
0x93: {  	v29 =	vnsel vm4, $0x0, v26;
	vm3 =	vgt.s32 v22, $0x0;
	v20 =	vmul.f32 v20, v21  }
0x94: {  	v4 =	vmul.f32 v10, v4;
	v22 =	vnsel vm3, $0x0, v22;
	v21 =	vld.idx.msk [tilespmem:v25+s15+$0x0], $0xffff;
	v25 =	vmin.u32 v29, $0x1FFF  }
0x95: {  	v11 =	vadd.f32 v12, v11;
	vm3 =	vgt.s32 v28, v33;
	v12 =	vadd.f32 $1.000000000e+00, v20;
	v10 =	vld.idx.msk [tilespmem:v28+s15+$0x0], $0xffff  }
0x96: {  	vm4 =	vlt.s32 v23, v26;
	v14 =	vmul.f32 v14, v18;
	v20 =	vmin.u32 v22, $0x1FFF  }
0x97: {  	v4 =	vsub.f32 v5, v4;
	v5 =	vmul.f32 v11, v8;
	v11 =	vmul.f32 v12, v30;
	v18 =	vld.idx.msk [tilespmem:v24+s2+$0x0], $0xffff  }
0x98: {  	v14 =	vadd.f32 v14, v15;
	vm7 =	vgt.s32 v20, v34;
	v12 =	vmul.f32 v17, v32  }
0x99: {  	v5 =	vsub.f32 v4, v5;
	vm8 =	vlt.s32 v26, $0x2000;
	v4 =	vadd.f32 v11, v16  }
0x9a: {  	v6 =	vsub.f32 v6, v19;
	v8 =	vmul.f32 v14, v8;
	v11 =	vmax.f32 v12, $9.999999970e-07;
	v12 =	vld.idx.msk [tilespmem:v13+s15+$0x0], $0xffff  }
0x9b: {  	v4 =	vmul.f32 v4, v27;
	v13 =	vmul.f32 v21, v32;
	v11 =	vmin.f32 v11, $9.999989860e-01;
	v14 =	vld.idx.msk [tilespmem:v20+s15+$0x0], $0xffff  }
0x9c: {  	vm4 =	vmand vm8, vm4;
	v10 =	vmul.f32 v10, v32;
	v11 =	vsub.f32 $1.000000000e+00, v11  }
0x9d: {  	vm4 =	vmand vm4, vm1;
	v7 =	vsub.f32 v7, v8;
	v6 =	vsub.f32 v6, v4;
	v15 =	vld.idx.msk [tilespmem:v25+s15+$0x0], $0xffff  }
0x9e: {  	vm1 =	vmand vm4, vm7;
	v4 =	vmax.f32 v10, $9.999999970e-07;
	v8 =	vand.u32 $0x7FFFFF, v11  }
0x9f: {  	v10 =	vmax.f32 v13, $9.999999970e-07;
	v4 =	vmin.f32 v4, $9.999989860e-01;
	v8 =	vor.u32 $0x3F800000, v8  }
0xa0: {  	v10 =	vmin.f32 v10, $9.999989860e-01;
	v11 =	vshra.s32 v11, $0x17;
	v12 =	vmul.f32 v12, v18  }
0xa1: {  	v13 =	vshra.s32 v10, $0x17;
	v16 =	vmul.f32 $5.000000000e-01, v8;
	v14 =	vmul.f32 v14, v18  }
0xa2: {  	v10 =	vand.u32 $0x7FFFFF, v10;
	v4 =	vsub.f32 $1.000000000e+00, v4;
	vm7 =	vgt.f32 v8, $1.414213540e+00  }
0xa3: {  	v10 =	vor.u32 $0x3F800000, v10;
	v8 =	vsel vm7, v16, v8;
	v15 =	vmul.f32 v15, v18  }
0xa4: {  	v16 =	vmul.f32 $5.000000000e-01, v10;
	v17 =	vadd.f32 $-1.000000000e+00, v8;
	v14 =	vmax.f32 v14, $9.999999970e-07  }
0xa5: {  	vm8 =	vgt.f32 v10, $1.414213540e+00;
	v18 =	vand.u32 $0x7FFFFF, v4;
	v15 =	vmax.f32 v15, $9.999999970e-07  }
0xa6: {  	v8 =	vadd.f32 $1.000000000e+00, v8;
	v10 =	vsel vm8, v16, v10;
	v15 =	vmin.f32 v15, $9.999989860e-01  }
0xa7: {  	v4 =	vshra.s32 v4, $0x17;
	v14 =	vmin.f32 v14, $9.999989860e-01;
	v16 =	vadd.f32 $1.000000000e+00, v10  }
0xa8: {  	v12 =	vmax.f32 v12, $9.999999970e-07;
	v14 =	vsub.f32 $1.000000000e+00, v14;
	(erf) = vrcp.f32 v8  }
0xa9: {  	vm6 =	vmand vm5, vm6;
	v8 =	vmin.f32 v12, $9.999989860e-01;
	(erf) = vrcp.f32 v16  }
0xaa: {  	v12 =	vsel vm8, $0x1, v2;
	v16 =	vor.u32 $0x3F800000, v18;
	v18 =	vand.u32 $0x7FFFFF, v14  }
0xab: {  	v19 =	vsel vm7, $0x1, v2;
	v20 =	vshra.s32 v15, $0x17;
	v18 =	vor.u32 $0x3F800000, v18  }
0xac: {  	v15 =	vand.u32 $0x7FFFFF, v15;
	v8 =	vsub.f32 $1.000000000e+00, v8;
	v14 =	vshra.s32 v14, $0x17  }
0xad: {  	v15 =	vor.u32 $0x3F800000, v15;
	v21 =	vmul.f32 $5.000000000e-01, v16;
	vm5 =	vgt.f32 v18, $1.414213540e+00  }
0xae: {  	vm8 =	vgt.f32 v15, $1.414213540e+00;
	vm7 =	vgt.f32 v16, $1.414213540e+00;
	v22 =	vand.u32 $0x7FFFFF, v8  }
0xaf: {  	v16 =	vsel vm7, v21, v16;
	v21 =	vmul.f32 $5.000000000e-01, v15;
	v22 =	vor.u32 $0x3F800000, v22  }
0xb0: {  	v11 =	vadd.s32 v19, v11;
	v8 =	vshra.s32 v8, $0x17;
	v19 =	vadd.f32 $1.000000000e+00, v16  }
0xb1: {  	v10 =	vadd.f32 $-1.000000000e+00, v10;
	v23 =	vsel vm7, $0x1, v2;
	v21 =	vsel vm8, v21, v15;
	v15 =	vpop (erf)  }
0xb2: {  	vm7 =	vgt.f32 v22, $1.414213540e+00;
	v15 =	vmul.f32 v15, v17;
	v17 =	vadd.f32 $1.000000000e+00, v21;
	v24 =	vpop (erf)  }
0xb3: {  	v11 =	vadd.s32 $0xFFFFFF81, v11;
	v10 =	vmul.f32 v24, v10;
	v24 =	vmul.f32 $5.000000000e-01, v22  }
0xb4: {  	v4 =	vadd.s32 v23, v4;
	v23 =	vmul.f32 $5.000000000e-01, v18;
	v25 =	vmul.f32 v15, v15  }
0xb5: {  	v26 =	vsel vm8, $0x1, v2;
	v22 =	vsel vm7, v24, v22;
	(erf) = vrcp.f32 v19  }
0xb6: {  	v20 =	vadd.s32 v26, v20;
	v19 =	vmul.f32 v10, v10;
	v24 =	vadd.f32 $1.000000000e+00, v22  }
0xb7: {  	v18 =	vsel vm5, v23, v18;
	v10 =	vadd.f32 v10, v10;
	v26 =	vmul.f32 $1.428571490e-01, v25  }
0xb8: {  	v12 =	vadd.s32 v12, v13;
	v4 =	vadd.s32 $0xFFFFFF81, v4;
	v13 =	vmul.f32 $1.428571490e-01, v19  }
0xb9: {  	v12 =	vadd.s32 $0xFFFFFF81, v12;
	v23 =	vadd.f32 $2.000000030e-01, v26;
	v26 =	vcvt.s32.f32 v4  }
0xba: {  	v4 =	vcvt.s32.f32 v12;
	v13 =	vadd.f32 $2.000000030e-01, v13;
	(erf) = vrcp.f32 v24  }
0xbb: {  	v20 =	vadd.s32 $0xFFFFFF81, v20;
	v12 =	vmul.f32 v23, v25;
	v23 =	vsel vm7, $0x1, v2  }
0xbc: {  	vm2 =	vmand vm6, vm2;
	v11 =	vcvt.s32.f32 v11;
	v27 =	vadd.s32 v23, v8  }
0xbd: {  	v16 =	vadd.f32 $-1.000000000e+00, v16;
	v23 =	vmul.f32 $6.931471820e-01, v4;
	v12 =	vadd.f32 $3.333333430e-01, v12  }
0xbe: {  	v4 =	vsel vm2, $0x3F800000, v1;
	v24 =	vadd.s32 $0xFFFFFF81, v27;
	v8 =	vpop (erf);
	(erf) = vrcp.f32 v17  }
0xbf: {  	v13 =	vmul.f32 v13, v19;
	v17 =	vadd.f32 $1.000000000e+00, v18;
	v16 =	vmul.f32 v8, v16  }
0xc0: {  	v27 =	vadd.f32 v15, v15;
	v12 =	vmul.f32 v12, v25;
	v8 =	vsel vm4, $0x3F800000, v1  }
0xc1: {  	v13 =	vadd.f32 $3.333333430e-01, v13;
	v25 =	vmul.f32 $6.931471820e-01, v11;
	(erf) = vrcp.f32 v17  }
0xc2: {  	v15 =	vcvt.s32.f32 v20;
	v28 =	vmul.f32 v16, v16;
	v17 =	vadd.f32 $-1.000000000e+00, v22  }
0xc3: {  	v13 =	vmul.f32 v13, v19;
	v19 =	vsel vm5, $0x1, v2;
	v12 =	vadd.f32 $1.000000000e+00, v12;
	v20 =	vpop (erf)  }
0xc4: {  	v11 =	vcvt.s32.f32 v24;
	v14 =	vadd.s32 v19, v14;
	v22 =	vmul.f32 $1.428571490e-01, v28  }
0xc5: {  	vm2 =	vmand vm2, vm3;
	v13 =	vadd.f32 $1.000000000e+00, v13;
	v12 =	vmul.f32 v12, v27  }
0xc6: {  	v19 =	vadd.f32 $-1.000000000e+00, v21;
	v14 =	vadd.s32 $0xFFFFFF81, v14;
	v20 =	vmul.f32 v20, v17  }
0xc7: {  	v13 =	vmul.f32 v13, v10;
	v10 =	vadd.f32 v12, v25;
	v22 =	vadd.f32 $2.000000030e-01, v22;
	v24 =	vpop (erf)  }
0xc8: {  	v21 =	vadd.f32 $-1.000000000e+00, v18;
	v17 =	vmul.f32 v20, v20;
	v12 =	vadd.f32 v20, v20  }
.Ltmp0:
0xc9: {  	v13 =	vadd.f32 v13, v23;
	v22 =	vmul.f32 v22, v28;
	v18 =	vmul.f32 v24, v19;
	(pc) =	sbr.rel @p0 .LBB2_2-.Ltmp0, $4  }
0xca: {  	v20 =	vcvt.s32.f32 v14;
	v19 =	vmul.f32 $1.428571490e-01, v17;
	v24 =	vpop (erf)  }
0xcb: {  	v13 =	vmul.f32 v13, v4;
	v23 =	vadd.f32 $3.333333430e-01, v22  }
0xcc: {  	v14 =	vmul.f32 v18, v18;
	v22 =	vadd.f32 $2.000000030e-01, v19  }
0xcd: {  	s30 =	smov.u32 s29;
	s28 =	sadd.s32 $0x20, s28;
	v9 =	vadd.f32 v4, v9;
	v19 =	vmul.f32 $6.931471820e-01, v26;
	v23 =	vmul.f32 v23, v28  }
0xce: {  	v16 =	vadd.f32 v16, v16;
	v25 =	vmul.f32 $1.428571490e-01, v14;
	v22 =	vmul.f32 v22, v17  }
0xcf: {  	v21 =	vmul.f32 v24, v21;
	v18 =	vadd.f32 v18, v18;
	v23 =	vadd.f32 $1.000000000e+00, v23  }
0xd0: {  	v15 =	vmul.f32 $6.931471820e-01, v15;
	v11 =	vmul.f32 $6.931471820e-01, v11;
	v22 =	vadd.f32 $3.333333430e-01, v22  }
0xd1: {  	v24 =	vadd.f32 $2.000000030e-01, v25;
	v16 =	vmul.f32 v23, v16;
	v23 =	vmul.f32 v21, v21  }
0xd2: {  	_ =	swait.ge [sflag:s23], $0x2000;
	v10 =	vmul.f32 v10, v4;
	v25 =	vsel vm2, $0x3F800000, v1;
	v17 =	vmul.f32 v22, v17  }
0xd3: {  	s0 =	simm.s32 $0xFFFFFFFF;
	s31 =	simm.s32 $0x10;
	[sflag:s23] =	ssyncset.done $0x0;
	v22 =	vmul.f32 v24, v14;
	v16 =	vadd.f32 v16, v19;
	v19 =	vmul.f32 $1.428571490e-01, v23  }
0xd4: {  	v26 =	vmov s31;
	[sflag:s23] =	ssyncadd.s32 $0xFFFFE000;
	v3 =	vadd.f32 v25, v3;
	v24 =	vmov s0  }
0xd5: {  	s1 =	simm.s32 $0xF;
	_ =	swait.ge [sflag:s23], $0x2000;
	v24 =	vshll.u32 v24, $0x1;
	v22 =	vadd.f32 $3.333333430e-01, v22;
	v19 =	vadd.f32 $2.000000030e-01, v19  }
0xd6: {  	[sflag:s23] =	ssyncset.done $0x0;
	v24 =	vadd.s32 v0, v24;
	v16 =	vmul.f32 v16, v25;
	v25 =	vmov s1  }
0xd7: {  	[sflag:s23] =	ssyncadd.s32 $0xFFFFE000;
	v24 =	vand.u32 $0x1FE, v24;
	v25 =	vshll.u32 v25, $0x1;
	v19 =	vmul.f32 v19, v23  }
0xd8: {  	v17 =	vadd.f32 $1.000000000e+00, v17;
	_ =	swait.ge [sflag:s23], $0x200;
	v24 =	vor.u32 $0x201, v24;
	v25 =	vadd.s32 v0, v25  }
0xd9: {  	[sflag:s23] =	ssyncset.done $0x0;
	v14 =	vmul.f32 v22, v14;
	v25 =	vand.u32 $0x1FE, v25;
	v19 =	vadd.f32 $3.333333430e-01, v19  }
0xda: {  	[sflag:s23] =	ssyncadd.s32 $0xFFFFFE00;
	v12 =	vmul.f32 v17, v12;
	v22 =	vor.u32 $0x201, v25;
	v25 =	vshll.u32 v26, $0x1  }
0xdb: {  	_ =	swait.ge [sflag:s23], $0x100;
	v14 =	vadd.f32 $1.000000000e+00, v14;
	v19 =	vmul.f32 v19, v23;
	v23 =	vor.u32 v0, v25  }
0xdc: {  	v21 =	vadd.f32 v21, v21;
	[sflag:s23] =	ssyncset.done $0x0;
	v11 =	vadd.f32 v12, v11;
	v17 =	vor.u32 $0x201, v23  }
0xdd: {  	[sflag:s23] =	ssyncadd.s32 $0xFFFFFF00;
	v12 =	vmul.f32 v14, v18;
	v14 =	vor.u32 $0x200, v23;
	v19 =	vadd.f32 $1.000000000e+00, v19  }
0xde: {  	v20 =	vmul.f32 $6.931471820e-01, v20;
	v4 =	vadd.f32 v8, v9;
	v5 =	vsub.f32 v5, v10;
	s1 =	simm.s32 $0x8510;
	v18 =	vld.idx.msk [tilespmem:v24+s16+$0x0], $0xffff  }
0xdf: {  	s30 =	simm.s32 $0x0;
	v10 =	vmul.f32 v11, v8;
	v11 =	vadd.f32 v12, v15;
	v12 =	vld [tilespmem:s1+$0x0];
	v9 =	vmul.f32 v19, v21  }
0xe0: {  	v7 =	vsub.f32 v7, v13;
	v15 =	vmov s30;
	v19 =	vld.idx.msk [tilespmem:v22+s16+$0x0], $0xffff  }
0xe1: {  	v5 =	vsub.f32 v5, v10;
	v10 =	vshll.u32 v15, $0x1;
	v9 =	vadd.f32 v9, v20;
	v13 =	vld.idx.msk [tilespmem:v17+s16+$0x0], $0xffff  }
0xe2: {  	v25 =	vsel vm1, $0x3F800000, v1;
	v8 =	vmul.f32 v11, v8;
	v10 =	vor.u32 v0, v10;
	v11 =	vld.idx.msk [tilespmem:v14+s16+$0x0], $0xffff  }
0xe3: {  	v6 =	vsub.f32 v6, v16;
	v14 =	vor.u32 $0x200, v10;
	v9 =	vmul.f32 v9, v25  }
0xe4: {  	v3 =	vadd.f32 v25, v3;
	vm1 =	vgt.s32 v18, $0x0;
	v10 =	vor.u32 $0x201, v10  }
0xe5: {  	v6 =	vsub.f32 v6, v9;
	v9 =	vnsel vm1, $0x0, v18;
	vm1 =	vgt.s32 v19, $0x0  }
0xe6: {  	v12 =	vadd.s32 v13, v12;
	v15 =	vnsel vm1, $0x0, v19;
	vm3 =	vlt.s32 v13, $0x2000  }
0xe7: {  	vm2 =	vgt.s32 v11, $0x0;
	v16 =	vadd.s32 $0x4, v11;
	vm1 =	vgt.s32 v12, $0x0  }
0xe8: {  	v14 =	vld.idx.msk [tilespmem:v14+s16+$0x0], $0xffff;
	vm4 =	vlt.s32 v11, v13;
	v12 =	vnsel vm1, $0x0, v12;
	vm1 =	vlt.u32 v11, $0x2000  }
0xe9: {  	v11 =	vnsel vm2, $0x0, v11;
	vm2 =	vgt.s32 v13, $0x0;
	v12 =	vmin.u32 v12, $0x1FFF  }
0xea: {  	s31 =	sand.u32 $0xE0, s30;
	v10 =	vld.idx.msk [tilespmem:v10+s16+$0x0], $0xffff;
	v11 =	vmin.u32 v11, $0x1FFF;
	v13 =	vnsel vm2, $0x0, v13;
	v18 =	vor.u32 $0x2000, v12  }
0xeb: {  	v8 =	vsub.f32 v7, v8;
	v17 =	vld [tilespmem:s31+$0x8500];
	v13 =	vmin.u32 v13, $0x1FFF;
	v11 =	vor.u32 $0x2000, v11  }
0xec: {  	vm2 =	vgt.s32 v12, v16;
	v12 =	vmin.u32 v15, $0x1FFF;
	v13 =	vor.u32 $0x2000, v13  }
0xed: {  	v9 =	vmin.u32 v9, $0x1FFF;
	v12 =	vor.u32 $0x2000, v12;
	vm10 =	vgt.s32 v14, $0x0  }
0xee: {  	v9 =	vor.u32 $0x2000, v9;
	vm5 =	vlt.u32 v14, $0x2000;
	v16 =	vnsel vm10, $0x0, v14  }
0xef: {  	v15 =	vadd.s32 $0x4, v14;
	vm11 =	vlt.s32 v14, v10;
	v14 =	vmin.u32 v16, $0x1FFF;
	v18 =	vld.idx.msk [tilespmem:v18+s15+$0x0], $0xffff  }
0xf0: {  	vm6 =	vgt.s32 v10, $0x0;
	v16 =	vadd.s32 v10, v17;
	v14 =	vor.u32 $0x2000, v14;
	v11 =	vld.idx.msk [tilespmem:v11+s2+$0x0], $0xffff  }
0xf1: {  	vm3 =	vmand vm3, vm4;
	v17 =	vnsel vm6, $0x0, v10;
	vm7 =	vgt.s32 v16, $0x0;
	v13 =	vld.idx.msk [tilespmem:v13+s15+$0x0], $0xffff  }
0xf2: {  	vm12 =	vlt.s32 v10, $0x2000;
	v10 =	vnsel vm7, $0x0, v16;
	v16 =	vmin.u32 v17, $0x1FFF;
	v17 =	vld.idx.msk [tilespmem:v12+s15+$0x0], $0xffff  }
0xf3: {  	v7 =	vimm.f32 $0.0e+00;
	vm1 =	vmand vm3, vm1;
	v10 =	vmin.u32 v10, $0x1FFF  }
0xf4: {  	vm4 =	vmand vm12, vm11;
	v19 =	vld.idx.msk [tilespmem:v9+s15+$0x0], $0xffff;
	vm13 =	vgt.s32 v10, v15;
	v15 =	vor.u32 $0x2000, v10  }
0xf5: {  	vm2 =	vmand vm1, vm2;
	vm4 =	vmand vm4, vm5;
	v16 =	vor.u32 $0x2000, v16;
	v14 =	vld.idx.msk [tilespmem:v14+s2+$0x0], $0xffff  }
0xf6: {  	v10 =	vsel vm4, $0x3F800000, v1;
	vm3 =	vmand vm4, vm13;
	v9 =	vmul.f32 v18, v11  }
0xf7: {  	v20 =	vadd.f32 v10, v7;
	v13 =	vmul.f32 v13, v11;
	v11 =	vmul.f32 v17, v11  }
0xf8: {  	v12 =	vsel vm3, $0x3F800000, v1;
	v17 =	vmax.f32 v9, $9.999999970e-07;
	v9 =	vsel vm1, $0x3F800000, v1  }
0xf9: {  	v15 =	vld.idx.msk [tilespmem:v15+s15+$0x0], $0xffff;
	v13 =	vmax.f32 v13, $9.999999970e-07;
	v17 =	vmin.f32 v17, $9.999989860e-01;
	v11 =	vmax.f32 v11, $9.999999970e-07  }
0xfa: {  	v16 =	vld.idx.msk [tilespmem:v16+s15+$0x0], $0xffff;
	v13 =	vmin.f32 v13, $9.999989860e-01;
	v17 =	vsub.f32 $1.000000000e+00, v17;
	v18 =	vmul.f32 v19, v14  }
0xfb: {  	v19 =	vmin.f32 v11, $9.999989860e-01;
	v11 =	vsel vm2, $0x3F800000, v1;
	v21 =	vand.u32 $0x7FFFFF, v13  }
0xfc: {  	v19 =	vsub.f32 $1.000000000e+00, v19;
	v13 =	vshra.s32 v13, $0x17;
	v21 =	vor.u32 $0x3F800000, v21  }
0xfd: {  	v23 =	vand.u32 $0x7FFFFF, v17;
	v18 =	vmax.f32 v18, $9.999999970e-07;
	v25 =	vshra.s32 v17, $0x17  }
0xfe: {  	v24 =	vmul.f32 $5.000000000e-01, v21;
	v17 =	vmin.f32 v18, $9.999989860e-01;
	v15 =	vmul.f32 v15, v14  }
0xff: {  	v18 =	vand.u32 $0x7FFFFF, v19;
	v14 =	vmul.f32 v16, v14;
	vm2 =	vgt.f32 v21, $1.414213540e+00  }
0x100: {  	v19 =	vshra.s32 v19, $0x17;
	v16 =	vsub.f32 $1.000000000e+00, v17;
	v17 =	vor.u32 $0x3F800000, v18  }
0x101: {  	v18 =	vor.u32 $0x3F800000, v23;
	v15 =	vmax.f32 v15, $9.999999970e-07;
	v26 =	vmul.f32 $5.000000000e-01, v17  }
0x102: {  	v14 =	vmax.f32 v14, $9.999999970e-07;
	vm1 =	vgt.f32 v17, $1.414213540e+00;
	v31 =	vmul.f32 $5.000000000e-01, v18  }
0x103: {  	vm15 =	vgt.f32 v18, $1.414213540e+00;
	v21 =	vsel vm2, v24, v21;
	v15 =	vmin.f32 v15, $9.999989860e-01  }
0x104: {  	v23 =	vand.u32 $0x7FFFFF, v16;
	v14 =	vmin.f32 v14, $9.999989860e-01;
	v15 =	vsub.f32 $1.000000000e+00, v15  }
0x105: {  	v24 =	vadd.f32 $1.000000000e+00, v21;
	v16 =	vshra.s32 v16, $0x17;
	v33 =	vsel vm15, $0x1, v2  }
0x106: {  	v21 =	vadd.f32 $-1.000000000e+00, v21;
	v23 =	vor.u32 $0x3F800000, v23;
	v28 =	vand.u32 $0x7FFFFF, v15  }
0x107: {  	v17 =	vsel vm1, v26, v17;
	v26 =	vshra.s32 v14, $0x17;
	v28 =	vor.u32 $0x3F800000, v28  }
0x108: {  	v14 =	vand.u32 $0x7FFFFF, v14;
	v27 =	vmul.f32 $5.000000000e-01, v23;
	v30 =	vmul.f32 $5.000000000e-01, v28  }
0x109: {  	v25 =	vadd.s32 v33, v25;
	vm3 =	vgt.f32 v23, $1.414213540e+00;
	vm14 =	vgt.f32 v28, $1.414213540e+00  }
0x10a: {  	v29 =	vadd.f32 $1.000000000e+00, v17;
	v23 =	vsel vm3, v27, v23;
	v27 =	vsel vm14, v30, v28  }
0x10b: {  	v14 =	vor.u32 $0x3F800000, v14;
	v35 =	vadd.f32 $-1.000000000e+00, v17;
	v28 =	vadd.f32 $1.000000000e+00, v27  }
0x10c: {  	v32 =	vmul.f32 $5.000000000e-01, v14;
	v15 =	vshra.s32 v15, $0x17;
	v34 =	vsel vm3, $0x1, v2  }
0x10d: {  	vm3 =	vgt.f32 v14, $1.414213540e+00;
	v16 =	vadd.s32 v34, v16;
	(erf) = vrcp.f32 v28  }
0x10e: {  	v14 =	vsel vm3, v32, v14;
	v16 =	vadd.s32 $0xFFFFFF81, v16;
	(erf) = vrcp.f32 v24  }
0x10f: {  	v17 =	vsel vm3, $0x1, v2;
	v30 =	vsel vm15, v31, v18;
	v18 =	vadd.f32 $1.000000000e+00, v23  }
0x110: {  	v16 =	vcvt.s32.f32 v16;
	v17 =	vadd.s32 v17, v26;
	v31 =	vadd.f32 $1.000000000e+00, v30  }
0x111: {  	v17 =	vadd.s32 $0xFFFFFF81, v17;
	v23 =	vadd.f32 $-1.000000000e+00, v23;
	(erf) = vrcp.f32 v18  }
0x112: {  	v28 =	vsel vm14, $0x1, v2;
	v18 =	vadd.f32 $1.000000000e+00, v14;
	(erf) = vrcp.f32 v31  }
0x113: {  	v17 =	vcvt.s32.f32 v17;
	v15 =	vadd.s32 v28, v15;
	(erf) = vrcp.f32 v29  }
0x114: {  	v24 =	vsel vm1, $0x1, v2;
	v15 =	vadd.s32 $0xFFFFFF81, v15;
	(erf) = vrcp.f32 v18  }
0x115: {  	v19 =	vadd.s32 v24, v19;
	v24 =	vadd.s32 $0xFFFFFF81, v25;
	v18 =	vadd.f32 $-1.000000000e+00, v27  }
0x116: {  	v25 =	vsel vm2, $0x1, v2;
	v15 =	vcvt.s32.f32 v15;
	v58 =	vcvt.s32.f32 v24;
	v26 =	vpop (erf)  }
0x117: {  	v13 =	vadd.s32 v25, v13;
	v24 =	vadd.f32 $-1.000000000e+00, v30;
	v27 =	vpop (erf);
	v28 =	vmul.f32 v26, v18  }
0x118: {  	v13 =	vadd.s32 $0xFFFFFF81, v13;
	v15 =	vmul.f32 $6.931471820e-01, v15;
	v59 =	vmul.f32 v27, v21  }
0x119: {  	v18 =	vadd.s32 $0xFFFFFF81, v19;
	v19 =	vcvt.s32.f32 v13;
	v60 =	vmul.f32 v28, v28  }
0x11a: {  	v22 =	vadd.f32 v12, v7;
	v18 =	vcvt.s32.f32 v18;
	v21 =	vpop (erf);
	v36 =	vmul.f32 v59, v59  }
0x11b: {  	v13 =	vadd.f32 $-1.000000000e+00, v14;
	v26 =	vpop (erf);
	v27 =	vmul.f32 v21, v23;
	v25 =	vmul.f32 $1.428571490e-01, v60  }
0x11c: {  	v28 =	vadd.f32 v28, v28;
	v29 =	vpop (erf);
	v30 =	vmul.f32 v26, v24;
	v14 =	vmul.f32 $1.428571490e-01, v36  }
0x11d: {  	v21 =	vmul.f32 $6.931471820e-01, v16;
	v37 =	vadd.f32 v59, v59;
	v24 =	vpop (erf);
	v23 =	vadd.f32 $2.000000030e-01, v25  }
0x11e: {  	v26 =	vmul.f32 v30, v30;
	v25 =	vmul.f32 v24, v13;
	v16 =	vadd.f32 $2.000000030e-01, v14  }
0x11f: {  	v14 =	vadd.f32 v9, v20;
	v20 =	vmul.f32 v29, v35;
	v23 =	vmul.f32 v23, v60  }
0x120: {  	v13 =	vadd.f32 v11, v22;
	v31 =	vmul.f32 v25, v25;
	v16 =	vmul.f32 v16, v36  }
0x121: {  	v29 =	vmul.f32 v27, v27;
	v61 =	vmul.f32 $1.428571490e-01, v26;
	v22 =	vadd.f32 $3.333333430e-01, v23  }
0x122: {  	v24 =	vmul.f32 v20, v20;
	v23 =	vmul.f32 $1.428571490e-01, v31;
	v16 =	vadd.f32 $3.333333430e-01, v16  }
0x123: {  	v35 =	vadd.f32 $2.000000030e-01, v61;
	v34 =	vmul.f32 v22, v60;
	v22 =	vadd.f32 v30, v30  }
0x124: {  	v23 =	vadd.f32 $2.000000030e-01, v23;
	v30 =	vmul.f32 $1.428571490e-01, v29;
	v16 =	vmul.f32 v16, v36  }
0x125: {  	v38 =	vmul.f32 v35, v26;
	v35 =	vmul.f32 $1.428571490e-01, v24;
	v34 =	vadd.f32 $1.000000000e+00, v34  }
0x126: {  	v62 =	vmul.f32 v23, v31;
	v30 =	vadd.f32 $2.000000030e-01, v30;
	v16 =	vadd.f32 $1.000000000e+00, v16  }
0x127: {  	v32 =	vadd.f32 $3.333333430e-01, v38;
	v23 =	vmul.f32 $6.931471820e-01, v58;
	v63 =	vmul.f32 v34, v28  }
0x128: {  	v33 =	vadd.f32 $3.333333430e-01, v62;
	v34 =	vmul.f32 v30, v29;
	v28 =	vmul.f32 v16, v37  }
0x129: {  	s28 =	simm.s32 $0x20;
	s29 =	simm.s32 $0x8530;
	v16 =	vimm.f32 $0.0e+00;
	v30 =	vadd.f32 v63, v15;
	v15 =	vimm.f32 $0.0e+00  }
.LBB2_4:
0x12a: {  	s0 =	sadd.s32 $0xFFFFFFFF, s28;
	s1 =	sadd.s32 $0x10, s28;
	s30 =	sadd.s32 $0xF, s28;
	v31 =	vmul.f32 v33, v31;
	v27 =	vadd.f32 v27, v27;
	v33 =	vadd.f32 $2.000000030e-01, v35  }
0x12b: {  	p0 =	slt.u32 s28, $0xE0;
	v35 =	vmov s0;
	v36 =	vmov s30;
	v34 =	vadd.f32 $3.333333430e-01, v34;
	s30 =	smov.u32 s28;
	s28 =	sadd.s32 $0x20, s28  }
0x12c: {  	v35 =	vshll.u32 v35, $0x1;
	v36 =	vshll.u32 v36, $0x1;
	v33 =	vmul.f32 v33, v24  }
0x12d: {  	v35 =	vadd.s32 v0, v35;
	v36 =	vadd.s32 v0, v36;
	v29 =	vmul.f32 v34, v29  }
0x12e: {  	v26 =	vmul.f32 v32, v26;
	v34 =	vand.u32 $0x1FE, v35;
	v35 =	vand.u32 $0x1FE, v36  }
0x12f: {  	v33 =	vadd.f32 $3.333333430e-01, v33;
	v32 =	vor.u32 $0x201, v34;
	v34 =	vor.u32 $0x201, v35  }
0x130: {  	v25 =	vadd.f32 v25, v25;
	v35 =	vmov s1;
	v29 =	vadd.f32 $1.000000000e+00, v29  }
0x131: {  	v12 =	vmul.f32 v30, v12;
	v31 =	vadd.f32 $1.000000000e+00, v31;
	v35 =	vshll.u32 v35, $0x1  }
0x132: {  	v17 =	vmul.f32 $6.931471820e-01, v17;
	v30 =	vor.u32 v0, v35;
	v27 =	vmul.f32 v29, v27  }
0x133: {  	v25 =	vmul.f32 v31, v25;
	v29 =	vor.u32 $0x200, v30;
	v30 =	vor.u32 $0x201, v30  }
0x134: {  	v19 =	vmul.f32 $6.931471820e-01, v19;
	v26 =	vadd.f32 $1.000000000e+00, v26;
	v21 =	vadd.f32 v27, v21;
	v31 =	vld.idx.msk [tilespmem:v32+s16+$0x0], $0xffff  }
0x135: {  	v18 =	vmul.f32 $6.931471820e-01, v18;
	v17 =	vadd.f32 v25, v17;
	v24 =	vmul.f32 v33, v24;
	v27 =	vld.idx.msk [tilespmem:v34+s16+$0x0], $0xffff  }
0x136: {  	v19 =	vadd.f32 v28, v19;
	v22 =	vmul.f32 v26, v22;
	v21 =	vmul.f32 v21, v10  }
0x137: {  	v7 =	vsub.f32 v7, v12;
	v12 =	vadd.f32 v20, v20;
	v10 =	vmul.f32 v17, v10;
	v25 =	vld [tilespmem:s29+$0x0]  }
0x138: {  	v19 =	vmul.f32 v19, v9;
	v20 =	vadd.f32 v22, v23;
	v16 =	vsub.f32 v16, v21;
	v17 =	vld.idx.msk [tilespmem:v30+s16+$0x0], $0xffff  }
0x139: {  	v21 =	vmov s30;
	v10 =	vsub.f32 v15, v10;
	v15 =	vadd.f32 $1.000000000e+00, v24;
	v22 =	vld.idx.msk [tilespmem:v29+s16+$0x0], $0xffff  }
0x13a: {  	v11 =	vmul.f32 v20, v11;
	v21 =	vshll.u32 v21, $0x1;
	vm1 =	vgt.s32 v31, $0x0  }
0x13b: {  	v20 =	vor.u32 v0, v21;
	v12 =	vmul.f32 v15, v12;
	v21 =	vnsel vm1, $0x0, v31  }
0x13c: {  	v15 =	vsub.f32 v10, v19;
	v23 =	vor.u32 $0x200, v20;
	v20 =	vor.u32 $0x201, v20  }
0x13d: {  	vm1 =	vgt.s32 v27, $0x0;
	v10 =	vmin.u32 v21, $0x1FFF;
	v12 =	vadd.f32 v12, v18  }
0x13e: {  	v7 =	vsub.f32 v7, v11;
	v18 =	vnsel vm1, $0x0, v27;
	v19 =	vadd.s32 v17, v25  }
0x13f: {  	vm2 =	vlt.s32 v17, $0x2000;
	v9 =	vmul.f32 v12, v9;
	vm1 =	vgt.s32 v19, $0x0  }
0x140: {  	vm3 =	vgt.s32 v22, $0x0;
	v12 =	vadd.s32 $0x4, v22;
	v11 =	vnsel vm1, $0x0, v19  }
0x141: {  	s0 =	sand.u32 $0xE0, s30;
	vm4 =	vlt.s32 v22, v17;
	v16 =	vsub.f32 v16, v9;
	v11 =	vmin.u32 v11, $0x1FFF;
	v19 =	vld.idx.msk [tilespmem:v23+s16+$0x0], $0xffff  }
0x142: {  	vm5 =	vlt.u32 v22, $0x2000;
	v21 =	vnsel vm3, $0x0, v22;
	v22 =	vor.u32 $0x2000, v11;
	v9 =	vld [tilespmem:s0+$0x8500]  }
0x143: {  	v10 =	vor.u32 $0x2000, v10;
	vm3 =	vgt.s32 v17, $0x0;
	vm1 =	vgt.s32 v11, v12;
	v20 =	vld.idx.msk [tilespmem:v20+s16+$0x0], $0xffff  }
0x144: {  	v11 =	vmin.u32 v21, $0x1FFF;
	v12 =	vnsel vm3, $0x0, v17;
	v17 =	vmin.u32 v18, $0x1FFF  }
0x145: {  	v12 =	vmin.u32 v12, $0x1FFF;
	v11 =	vor.u32 $0x2000, v11;
	v17 =	vor.u32 $0x2000, v17  }
0x146: {  	vm2 =	vmand vm2, vm4;
	v12 =	vor.u32 $0x2000, v12  }
0x147: {  	vm3 =	vlt.u32 v19, $0x2000;
	vm4 =	vgt.s32 v19, $0x0;
	v18 =	vadd.s32 $0x4, v19  }
0x148: {  	vm2 =	vmand vm2, vm5;
	v21 =	vnsel vm4, $0x0, v19;
	v22 =	vld.idx.msk [tilespmem:v22+s15+$0x0], $0xffff  }
0x149: {  	vm4 =	vlt.s32 v19, v20;
	v19 =	vmin.u32 v21, $0x1FFF;
	v9 =	vadd.s32 v20, v9  }
0x14a: {  	vm5 =	vgt.s32 v20, $0x0;
	v19 =	vor.u32 $0x2000, v19;
	vm6 =	vgt.s32 v9, $0x0;
	v21 =	vld.idx.msk [tilespmem:v11+s2+$0x0], $0xffff  }
0x14b: {  	vm7 =	vlt.s32 v20, $0x2000;
	v11 =	vnsel vm5, $0x0, v20;
	v9 =	vnsel vm6, $0x0, v9;
	v20 =	vld.idx.msk [tilespmem:v12+s15+$0x0], $0xffff  }
0x14c: {  	vm4 =	vmand vm7, vm4;
	v11 =	vmin.u32 v11, $0x1FFF;
	v9 =	vmin.u32 v9, $0x1FFF;
	v17 =	vld.idx.msk [tilespmem:v17+s15+$0x0], $0xffff  }
0x14d: {  	vm3 =	vmand vm4, vm3;
	vm4 =	vgt.s32 v9, v18;
	v18 =	vor.u32 $0x2000, v9  }
0x14e: {  	v23 =	vor.u32 $0x2000, v11;
	v24 =	vld.idx.msk [tilespmem:v10+s15+$0x0], $0xffff;
	v10 =	vsel vm3, $0x3F800000, v1;
	vm3 =	vmand vm3, vm4  }
0x14f: {  	vm1 =	vmand vm2, vm1;
	v19 =	vld.idx.msk [tilespmem:v19+s2+$0x0], $0xffff;
	v12 =	vsel vm3, $0x3F800000, v1;
	v14 =	vadd.f32 v10, v14  }
0x150: {  	v9 =	vsel vm2, $0x3F800000, v1;
	v22 =	vmul.f32 v22, v21;
	v13 =	vadd.f32 v12, v13  }
0x151: {  	v11 =	vsel vm1, $0x3F800000, v1;
	v20 =	vmul.f32 v20, v21;
	v14 =	vadd.f32 v9, v14  }
0x152: {  	v17 =	vmul.f32 v17, v21;
	v21 =	vmax.f32 v22, $9.999999970e-07;
	v18 =	vld.idx.msk [tilespmem:v18+s15+$0x0], $0xffff;
	v13 =	vadd.f32 v11, v13  }
0x153: {  	v20 =	vmax.f32 v20, $9.999999970e-07;
	v21 =	vmin.f32 v21, $9.999989860e-01;
	v22 =	vld.idx.msk [tilespmem:v23+s15+$0x0], $0xffff  }
0x154: {  	v20 =	vmin.f32 v20, $9.999989860e-01;
	v17 =	vmax.f32 v17, $9.999999970e-07;
	v21 =	vsub.f32 $1.000000000e+00, v21  }
0x155: {  	v23 =	vmul.f32 v24, v19;
	v17 =	vmin.f32 v17, $9.999989860e-01;
	v24 =	vand.u32 $0x7FFFFF, v20  }
0x156: {  	v24 =	vor.u32 $0x3F800000, v24;
	v25 =	vsub.f32 $1.000000000e+00, v17;
	v17 =	vand.u32 $0x7FFFFF, v21  }
0x157: {  	v21 =	vshra.s32 v21, $0x17;
	v23 =	vmax.f32 v23, $9.999999970e-07;
	v26 =	vmul.f32 $5.000000000e-01, v24  }
0x158: {  	v23 =	vmin.f32 v23, $9.999989860e-01;
	v18 =	vmul.f32 v18, v19;
	v27 =	vand.u32 $0x7FFFFF, v25  }
0x159: {  	v19 =	vmul.f32 v22, v19;
	v22 =	vsub.f32 $1.000000000e+00, v23;
	v23 =	vor.u32 $0x3F800000, v27  }
0x15a: {  	v17 =	vor.u32 $0x3F800000, v17;
	v18 =	vmax.f32 v18, $9.999999970e-07  }
0x15b: {  	v28 =	vmul.f32 $5.000000000e-01, v23;
	v18 =	vmin.f32 v18, $9.999989860e-01;
	v27 =	vand.u32 $0x7FFFFF, v22  }
0x15c: {  	vm1 =	vgt.f32 v23, $1.414213540e+00;
	v19 =	vmax.f32 v19, $9.999999970e-07;
	v18 =	vsub.f32 $1.000000000e+00, v18  }
0x15d: {  	v19 =	vmin.f32 v19, $9.999989860e-01;
	v27 =	vor.u32 $0x3F800000, v27;
	v23 =	vsel vm1, v28, v23  }
0x15e: {  	v28 =	vshra.s32 v19, $0x17;
	v29 =	vmul.f32 $5.000000000e-01, v27;
	v30 =	vand.u32 $0x7FFFFF, v18  }
0x15f: {  	v19 =	vand.u32 $0x7FFFFF, v19;
	v31 =	vadd.f32 $1.000000000e+00, v23;
	v30 =	vor.u32 $0x3F800000, v30  }
0x160: {  	v33 =	vmul.f32 $5.000000000e-01, v17;
	v19 =	vor.u32 $0x3F800000, v19;
	v32 =	vmul.f32 $5.000000000e-01, v30  }
0x161: {  	vm3 =	vgt.f32 v27, $1.414213540e+00;
	v34 =	vmul.f32 $5.000000000e-01, v19;
	vm4 =	vgt.f32 v30, $1.414213540e+00  }
0x162: {  	vm5 =	vgt.f32 v17, $1.414213540e+00;
	v27 =	vsel vm3, v29, v27;
	v29 =	vsel vm4, v32, v30  }
0x163: {  	vm2 =	vgt.f32 v24, $1.414213540e+00;
	v32 =	vsel vm5, v33, v17;
	v30 =	vadd.f32 $1.000000000e+00, v29  }
0x164: {  	v24 =	vsel vm2, v26, v24;
	v18 =	vshra.s32 v18, $0x17;
	v17 =	vadd.f32 $1.000000000e+00, v27  }
0x165: {  	v26 =	vadd.f32 $1.000000000e+00, v24;
	v33 =	vadd.f32 $1.000000000e+00, v32;
	(erf) = vrcp.f32 v30  }
0x166: {  	v35 =	vsel vm5, $0x1, v2;
	v22 =	vshra.s32 v22, $0x17;
	v30 =	vsel vm4, $0x1, v2  }
0x167: {  	v23 =	vadd.f32 $-1.000000000e+00, v23;
	v36 =	vsel vm3, $0x1, v2;
	(erf) = vrcp.f32 v26  }
0x168: {  	vm3 =	vgt.f32 v19, $1.414213540e+00;
	v22 =	vadd.s32 v36, v22;
	v18 =	vadd.s32 v30, v18  }
0x169: {  	v26 =	vsel vm3, v34, v19;
	v19 =	vadd.s32 $0xFFFFFF81, v22;
	v18 =	vadd.s32 $0xFFFFFF81, v18  }
0x16a: {  	v22 =	vsel vm3, $0x1, v2;
	v30 =	vcvt.s32.f32 v19;
	v18 =	vcvt.s32.f32 v18  }
0x16b: {  	v19 =	vadd.s32 v22, v28;
	v22 =	vsel vm1, $0x1, v2;
	(erf) = vrcp.f32 v17  }
0x16c: {  	v34 =	vadd.f32 $1.000000000e+00, v26;
	v17 =	vadd.s32 $0xFFFFFF81, v19;
	(erf) = vrcp.f32 v33  }
0x16d: {  	v28 =	vadd.f32 $-1.000000000e+00, v29;
	v17 =	vcvt.s32.f32 v17;
	(erf) = vrcp.f32 v31  }
0x16e: {  	v25 =	vshra.s32 v25, $0x17;
	v31 =	vadd.s32 v35, v21;
	(erf) = vrcp.f32 v34;
	v19 =	vpop (erf)  }
0x16f: {  	v24 =	vadd.f32 $-1.000000000e+00, v24;
	v22 =	vadd.s32 v22, v25;
	v29 =	vadd.s32 $0xFFFFFF81, v31  }
0x170: {  	v20 =	vshra.s32 v20, $0x17;
	v25 =	vsel vm2, $0x1, v2;
	v33 =	vcvt.s32.f32 v29;
	v21 =	vpop (erf)  }
0x171: {  	v28 =	vmul.f32 v19, v28;
	v19 =	vadd.s32 v25, v20;
	v34 =	vmul.f32 v21, v24  }
0x172: {  	v36 =	vmul.f32 $6.931471820e-01, v18;
	v18 =	vadd.s32 $0xFFFFFF81, v22;
	v19 =	vadd.s32 $0xFFFFFF81, v19  }
0x173: {  	v18 =	vcvt.s32.f32 v18;
	v22 =	vmul.f32 v28, v28  }
0x174: {  	v31 =	vadd.f32 $-1.000000000e+00, v32;
	v19 =	vcvt.s32.f32 v19;
	v35 =	vmul.f32 v34, v34;
	v21 =	vpop (erf)  }
0x175: {  	v24 =	vadd.f32 $-1.000000000e+00, v27;
	v37 =	vmul.f32 $1.428571490e-01, v22;
	v27 =	vpop (erf)  }
0x176: {  	v26 =	vadd.f32 $-1.000000000e+00, v26;
	v29 =	vmul.f32 $1.428571490e-01, v35;
	v32 =	vmul.f32 v27, v31;
	v20 =	vpop (erf)  }
0x177: {  	v27 =	vmul.f32 v21, v24;
	v24 =	vadd.f32 $2.000000030e-01, v37;
	v25 =	vpop (erf)  }
0x178: {  	v21 =	vmul.f32 $6.931471820e-01, v30;
	v29 =	vadd.f32 $2.000000030e-01, v29;
	v20 =	vmul.f32 v20, v23  }
0x179: {  	v25 =	vmul.f32 v25, v26;
	v26 =	vmul.f32 v32, v32  }
0x17a: {  	v23 =	vmul.f32 v24, v22;
	v24 =	vmul.f32 v29, v35  }
0x17b: {  	v29 =	vmul.f32 v27, v27;
	v31 =	vmul.f32 v25, v25  }
0x17c: {  	v23 =	vadd.f32 $3.333333430e-01, v23;
	v30 =	vadd.f32 $3.333333430e-01, v24;
	v24 =	vmul.f32 v20, v20  }
0x17d: {  	v38 =	vmul.f32 $1.428571490e-01, v26;
	v37 =	vmul.f32 $1.428571490e-01, v31  }
0x17e: {  	v23 =	vmul.f32 v23, v22;
	v22 =	vadd.f32 v32, v32;
	v30 =	vmul.f32 v30, v35  }
0x17f: {  	v28 =	vadd.f32 v28, v28;
	v35 =	vmul.f32 $1.428571490e-01, v29;
	v32 =	vadd.f32 $2.000000030e-01, v37  }
.Ltmp1:
0x180: {  	v38 =	vadd.f32 $2.000000030e-01, v38;
	v37 =	vadd.f32 $1.000000000e+00, v23;
	v23 =	vmul.f32 $6.931471820e-01, v33;
	(pc) =	sbr.rel @p0 .LBB2_4-.Ltmp1, $4  }
0x181: {  	v34 =	vadd.f32 v34, v34;
	v30 =	vadd.f32 $1.000000000e+00, v30;
	v32 =	vmul.f32 v32, v31  }
0x182: {  	v38 =	vmul.f32 v38, v26;
	v39 =	vadd.f32 $2.000000030e-01, v35;
	v37 =	vmul.f32 v37, v28  }
0x183: {  	v35 =	vmul.f32 $1.428571490e-01, v24;
	v28 =	vmul.f32 v30, v34;
	v33 =	vadd.f32 $3.333333430e-01, v32  }
0x184: {  	s29 =	sadd.s32 $0x20, s29;
	v34 =	vmul.f32 v39, v29;
	v30 =	vadd.f32 v37, v36;
	v32 =	vadd.f32 $3.333333430e-01, v38  }
0x185: {  	v35 =	vadd.f32 $2.000000030e-01, v35  }
0x186: {  	(xrf2) =	vadd.scan.msk.f32 $0xffff, v4  }
0x187: {  	v34 =	vadd.f32 $3.333333430e-01, v34;
	(xrf2) =	vadd.scan.msk.f32 $0xffff, v3;
	v35 =	vmul.f32 v35, v24  }
0x188: {  	v61 =	vmul.f32 v33, v31;
	(xrf2) =	vadd.scan.msk.f32 $0xffff, v8  }
0x189: {  	v27 =	vadd.f32 v27, v27;
	v29 =	vmul.f32 v34, v29;
	(xrf2) =	vadd.scan.msk.f32 $0xffff, v5;
	v3 =	vadd.f32 $3.333333430e-01, v35  }
0x18a: {  	v25 =	vadd.f32 v25, v25;
	v4 =	vadd.f32 $1.000000000e+00, v61;
	(xrf2) =	vadd.scan.msk.f32 $0xffff, v6  }
0x18b: {  	v63 =	vmul.f32 $6.931471820e-01, v17;
	v62 =	vadd.f32 $1.000000000e+00, v29;
	(xrf2) =	vadd.scan.msk.f32 $0xffff, v14;
	v3 =	vmul.f32 v3, v24  }
0x18c: {  	v26 =	vmul.f32 v32, v26;
	v4 =	vmul.f32 v4, v25  }
0x18d: {  	(xrf2) =	vadd.scan.msk.f32 $0xffff, v13;
	v24 =	vmul.f32 v62, v27;
	v27 =	vadd.f32 v20, v20;
	v3 =	vadd.f32 $1.000000000e+00, v3  }
0x18e: {  	v31 =	vadd.f32 $1.000000000e+00, v26;
	v29 =	vmul.f32 $6.931471820e-01, v19;
	v4 =	vadd.f32 v4, v63  }
0x18f: {  	v32 =	vmul.f32 $6.931471820e-01, v18;
	v6 =	vadd.f32 v24, v21;
	v3 =	vmul.f32 v3, v27  }
0x190: {  	v5 =	vmul.f32 v31, v22;
	v33 =	vadd.f32 v28, v29;
	v4 =	vmul.f32 v4, v10;
	v34, _, _ =	vpop (xrf2)  }
0x191: {  	v36 =	vmul.f32 v30, v12;
	v6 =	vmul.f32 v6, v10;
	v35, _, _ =	vpop (xrf2);
	v3 =	vadd.f32 v3, v32  }
0x192: {  	v5 =	vadd.f32 v5, v23;
	v37 =	vmul.f32 v33, v9;
	v4 =	vsub.f32 v15, v4;
	v38, _, _ =	vpop (xrf2)  }
0x193: {  	v40 =	vbroadcast v34, $0xF;
	v6 =	vsub.f32 v16, v6;
	v39, _, _ =	vpop (xrf2);
	v3 =	vmul.f32 v3, v9  }
0x194: {  	v7 =	vsub.f32 v7, v36;
	v5 =	vmul.f32 v5, v11;
	v4 =	vsub.f32 v4, v37;
	v41, _, _ =	vpop (xrf2)  }
0x195: {  	v8 =	vbroadcast v35, $0xF;
	vm1 =	vgt.f32 v40, $1.500000000e+00;
	v42, _, _ =	vpop (xrf2);
	v3 =	vsub.f32 v6, v3  }
0x196: {  	v43 =	vsub.f32 v7, v5;
	(xrf2) =	vadd.scan.msk.f32 $0xffff, v4;
	v44 =	vnsel vm1, $0x0, v40;
	v45 =	vbroadcast v42, $0xF  }
0x197: {  	v5 =	vadd.f32 v44, v8;
	v46, _, _ =	vpop (xrf2);
	(xrf2) =	vadd.scan.msk.f32 $0xffff, v3;
	v3 =	vmax.f32 v40, $1.000000000e+00  }
0x198: {  	vm2 =	vgt.f32 v45, $1.500000000e+00;
	(erf) = vrcp.f32 v3;
	v3 =	vbroadcast v46, $0xF;
	(xrf2) =	vadd.scan.msk.f32 $0xffff, v43  }
0x199: {  	v48 =	vnsel vm2, $0x0, v45  }
0x19a: {  	v47 =	vmax.f32 v5, $1.000000000e+00;
	v3 =	vadd.f32 v48, v3  }
0x19b: {  	v49 =	vmax.f32 v45, $1.000000000e+00;
	(erf) = vrcp.f32 v47  }
0x19c: {  	(erf) = vrcp.f32 v49;
	v50 =	vmax.f32 v3, $1.000000000e+00  }
0x19d: {  	(erf) = vrcp.f32 v50;
	_ =	sdelay $0x2  }
0x19e: {  	v52 =	vbroadcast v39, $0xF;
	v51, _, _ =	vpop (xrf2)  }
0x19f: {  	v6 =	vbroadcast v41, $0xF;
	v53, _, _ =	vpop (xrf2)  }
0x1a0: {  	v8 =	vnsel vm1, $0x0, v52;
	v55 =	vbroadcast v53, $0xF;
	v56, _, _ =	vpop (xrf2)  }
0x1a1: {  	v6 =	vadd.f32 v8, v6;
	v54 =	vpop (erf);
	v9 =	vbroadcast v56, $0xF  }
0x1a2: {  	v57 =	vpop (erf);
	v8 =	vnsel vm2, $0x0, v55  }
0x1a3: {  	v6 =	vmul.f32 v57, v6;
	v58 =	vpop (erf);
	v8 =	vadd.f32 v8, v9  }
0x1a4: {  	v13 =	vbroadcast v38, $0xF;
	v59 =	vpop (erf)  }
0x1a5: {  	v6 =	vmul.f32 $5.000000000e-01, v6;
	v60 =	vmul.f32 v59, v8  }
0x1a6: {  	vm1 =	vgt.f32 v5, $5.000000000e-01;
	v4 =	vbroadcast v51, $0xF;
	v10 =	vmul.f32 v54, v13  }
0x1a7: {  	v6 =	vnsel vm1, $0x0, v6;
	v5 =	vmul.f32 $5.000000000e-01, v60  }
0x1a8: {  	v4 =	vmul.f32 v58, v4;
	vm1 =	vgt.f32 v3, $5.000000000e-01;
	v6 =	vadd.f32 v6, v10  }
0x1a9: {  	v5 =	vnsel vm1, $0x0, v5  }
0x1aa: {  	vm2 =	vgt.f32 v45, $5.000000000e-01;
	v3 =	vadd.f32 $0.0e+00, v6;
	v4 =	vadd.f32 v5, v4  }
0x1ab: {  	v62 =	vsel vm2, $0x3F800000, v1;
	vm1 =	vgt.f32 v40, $5.000000000e-01  }
0x1ac: {  	v3 =	vnsel vm1, $0x0, v3;
	v61 =	vsel vm1, $0x3F800000, v1;
	v4 =	vnsel vm2, $0x0, v4  }
0x1ad: {  	v63 =	vadd.f32 v62, v61;
	v3 =	vadd.f32 v4, v3  }
0x1ae: {  	vm1 =	vmmov $0x1  }
0x1af: {  	v4 =	vsel vm0, $0x0, v63;
	v3 =	vnsel vm1, $0x0, v3  }
0x1b0: {  	s26 =	sadd.s32 $0x1, s26;
	v3 =	vadd.f32 v3, v4  }
0x1b1: {  	p0 =	sne.s32 s26, s12  }
.Ltmp2:
0x1b2: {  	[tilespmem:$0x8600] =	vst v3;
	(pc) =	sbr.rel @p0 .LBB2_1-.Ltmp2, $4  }
0x1b3: {  	[hbm4b:s11+s2] =	stream.linear.scatter [tilespmem:s24], [sflag:$0x3], $0x10, $0x38;
	[tilespmem:$0x8680] =	vst v63  }
0x1b4: {  	_ =	swait.ge [sflag:s25], $0x10  }
0x1b5: {  	[sflag:s25] =	ssyncset.done $0x0  }
0x1b6: {  	[sflag:s25] =	ssyncadd.s32 $0xFFFFFFF0  }
0x1b7: {  	_ =	sfence.sel $0x180000  }
0x1b8: {  	[bflag:$0x0] =	sbarrier.arrive $0xFFFF  }
0x1b9: {  	_ =	strace $0x90000047  }
0x1ba: {  	s0 =	stileid.u32;
	[bflag:$0x2] =	sbarrier.arrive $0xFFFF  }
0x1bb: {  	p0 =	sne.s32 s0, $0x0;
	s0 =	rddreg [dreg:$0x3]  }
0x1bc: {  	s0 =	sadd.s32 @!p0 $0x100000, s0  }
0x1bd: {  	[sflag:s0] =	ssyncadd.tile.s32 @!p0 $0x1;
	_ =	shalt  }
.Lfunc_end2:
_tile_overlayer_lowered:
.L_overlay_start_2:
0x1be: {  	(tag) =	ssettag $0x2  }
0x1bf: {  	s0 =	rddreg [dreg:$0x0];
	s2 =	stileid.u32  }
0x1c0: {  	s1 =	rddreg [dreg:$0x1];
	p0 =	sne.s32 s2, $0x0  }
0x1c1: {  	s3 =	rddreg [dreg:$0x2];
	[bflag:$0x3] =	sbarrier.arrive $0xFFFF;
	s2 =	simm.s32 @!p0 $0x1C03  }
0x1c2: {  	[timem:s3], [sflag:s2] =	dma.local @!p0 [hbm:s0], s1  }
0x1c3: {  	s0 =	simm.s32 @!p0 $0x3  }
0x1c4: {  	_ =	swait.ge @!p0 [sflag:s0], s1  }
0x1c5: {  	s1 =	ssub.s32 @!p0 $0x0, s1;
	[sflag:s0] =	ssyncset.done @!p0 $0x0  }
0x1c6: {  	[sflag:s0] =	ssyncadd.s32 @!p0 s1  }
0x1c7: {  	[bflag:$0x3] =	sbarrier.arrive $0xFFFF  }
0x1c8: {  	_ =	shalt  }

</sc_bundles>
